<compile_context>
chip_gen: v7x
topology: tpu7x:2x2x1
jax: 0.10.2.dev20260603
libtpu: 0.0.44.dev20260713+nightly
codegen_flags: <defaults>
</compile_context>

<pallas_src>
import functools

import jax
import jax.numpy as jnp
from jax import lax
from jax.experimental import pallas as pl
from jax.experimental.pallas import tpu as pltpu
from jax.experimental.pallas import tpu_sc as plsc

_NUM_TYPES = 100000
_EMBED_DIM = 64
_BATCH = 16384

_INFO = plsc.get_sparse_core_info()
_NC = _INFO.num_cores
_NS = _INFO.num_subcores
_NW = _NC * _NS
_B_PER_W = _BATCH // _NW
_RING = 16


@functools.partial(
    pl.kernel,
    mesh=plsc.VectorSubcoreMesh(core_axis_name="c", subcore_axis_name="s"),
    out_type=jax.ShapeDtypeStruct((_BATCH // 8, 8, _EMBED_DIM), jnp.float32),
    scratch_types=[
        pltpu.VMEM((_B_PER_W,), jnp.int32),
        pltpu.VMEM((_B_PER_W // 8, 8, _EMBED_DIM), jnp.float32),
        pltpu.SemaphoreType.DMA,
    ],
)
def _embed_gather(table_hbm, idx_hbm, out_hbm, idx_s, rows_v, sem):
    wid = lax.axis_index("s") * _NC + lax.axis_index("c")
    base = wid * _B_PER_W
    pltpu.sync_copy(idx_hbm.at[pl.ds(base, _B_PER_W)], idx_s)

    def wait_eight_rows():
        pltpu.make_async_copy(
            table_hbm.at[0],
            rows_v.at[0],
            sem,
        ).wait()

    def fire_group(g):
        iv = idx_s[pl.ds(g * 16, 16)]
        for k in range(16):
            r = iv[k]
            pltpu.async_copy(
                table_hbm.at[r >> 3, pl.ds(r & 7, 1)],
                rows_v.at[2 * g + k // 8, pl.ds(k % 8, 1)],
                sem,
            )

    fire_group(0)

    def body(g, _):
        fire_group(g)
        wait_eight_rows()
        wait_eight_rows()
        return 0

    lax.fori_loop(1, _B_PER_W // 16, body, 0)
    wait_eight_rows()
    wait_eight_rows()
    pltpu.sync_copy(rows_v, out_hbm.at[pl.ds(wid * (_B_PER_W // 8), _B_PER_W // 8)])


def kernel(disaster_type_idx, embedding_weight):
    idx = disaster_type_idx.astype(jnp.int32)
    table3 = embedding_weight.reshape(_NUM_TYPES // 8, 8, _EMBED_DIM)
    out3 = _embed_gather(table3, idx)
    return out3.reshape(_BATCH, _EMBED_DIM)

# --- scband reference (transcript-rebuilt; emitter-appended) ---
"""Pipeline reference for scband-disaster-type-embedding-11295763988927 (READ-ONLY COPY).

The authoritative reference and input builder live on the scoring server;
editing this copy changes nothing except your own understanding.
"""

import jax, jax.numpy as jnp
import numpy as np

NUM_TYPES = 100000
EMBED_DIM = 64
BATCH = 16384


def setup_inputs(seed: int = 0) -> dict:
    key = jax.random.key(seed)
    k_idx, k_emb = jax.random.split(key)
    disaster_type_idx = jax.random.randint(k_idx, (BATCH,), 0, NUM_TYPES, dtype=jnp.int64) if jax.config.jax_enable_x64 else jax.random.randint(k_idx, (BATCH,), 0, NUM_TYPES, dtype=jnp.int32)
    embedding_weight = jax.random.normal(k_emb, (NUM_TYPES, EMBED_DIM), dtype=jnp.float32)
    return {"disaster_type_idx": disaster_type_idx, "embedding_weight": embedding_weight}


def reference(disaster_type_idx, embedding_weight):
    # nn.Embedding forward: gather rows of the table
    return jnp.take(embedding_weight, disaster_type_idx, axis=0)

if __name__ == "__main__":
    import jax
    _d = setup_inputs()
    print(jax.jit(kernel)(*tuple(_d.values())))

</pallas_src>

<mosaic_0001>
#map = affine_map<(d0, d1) -> (0, 0, 0)>
#map1 = affine_map<(d0, d1) -> (0)>
module attributes {stable_mosaic.version = 14 : i64} {
  func.func @_embed_gather(%arg0: i32, %arg1: i32, %arg2: memref<12500x8x64xf32, #tpu.memory_space<hbm>>, %arg3: memref<16384xi32, #tpu.memory_space<hbm>>, %arg4: memref<2048x8x64xf32, #tpu.memory_space<hbm>>, %arg5: memref<512xi32, #tpu.memory_space<vmem>>, %arg6: memref<64x8x64xf32, #tpu.memory_space<vmem>>, %arg7: memref<!tpu.dma_semaphore, #tpu.memory_space<semaphore_mem>>) attributes {dimension_semantics = [#tpu.dimension_semantics<core_parallel>, #tpu.dimension_semantics<subcore_parallel>], iteration_bounds = array<i64: 2, 16>, scalar_prefetch = 0 : i64, scratch_operands = 3 : i64, tpu.core_type = #tpu.core_type<sc_vector_subcore>, window_params = [{transform_indices = #map}, {transform_indices = #map1}, {transform_indices = #map}]} {
    %mul3A = arith.constant 2 : i32
    %mul3A_0 = arith.muli %arg1, %mul3A : i32
    %add3A = arith.addi %mul3A_0, %arg0 : i32
    %mul3A_1 = arith.constant 512 : i32
    %mul3A_2 = arith.muli %add3A, %mul3A_1 : i32
    "tpu.region"() ({
      %run_scoped3A = tpu.sem_alloc : memref<!tpu.dma_semaphore, #tpu.memory_space<semaphore_mem>>
      %dma_start3A_379 = tpu.memref_slice %arg3[%mul3A_2] : memref<16384xi32, #tpu.memory_space<hbm>> -> memref<512xi32, #tpu.memory_space<hbm>>
      %dma_start3A_380 = tpu.memref_slice %arg3[%mul3A_2] : memref<16384xi32, #tpu.memory_space<hbm>> -> memref<512xi32, #tpu.memory_space<hbm>>
      tpu.enqueue_dma source(%dma_start3A_380 : memref<512xi32, #tpu.memory_space<hbm>>) target(%arg5 : memref<512xi32, #tpu.memory_space<vmem>>) target_semaphore(%run_scoped3A : memref<!tpu.dma_semaphore, #tpu.memory_space<semaphore_mem>>)
      %dma_wait3A_381 = tpu.memref_slice %arg3[%mul3A_2] : memref<16384xi32, #tpu.memory_space<hbm>> -> memref<512xi32, #tpu.memory_space<hbm>>
      %dma_wait3A_382 = tpu.memref_slice %arg3[%mul3A_2] : memref<16384xi32, #tpu.memory_space<hbm>> -> memref<512xi32, #tpu.memory_space<hbm>>
      tpu.wait_dma2 semaphore(%run_scoped3A : memref<!tpu.dma_semaphore, #tpu.memory_space<semaphore_mem>>) src(%dma_wait3A_382 : memref<512xi32, #tpu.memory_space<hbm>>) dst(%arg5 : memref<512xi32, #tpu.memory_space<vmem>>)
      tpu.yield
    }) : () -> ()
    %get3A = arith.constant 0 : index
    %get3A_3 = tpu.vector_load %arg5[%get3A] {strides = array<i32>} : memref<512xi32, #tpu.memory_space<vmem>>, vector<16xi32>,
    %get3A_4 = vector.shape_cast %get3A_3 : vector<16xi32> to vector<16xi32>
    %slice3A = vector.extract_strided_slice %get3A_4 {offsets = [0], sizes = [1], strides = [1]} : vector<16xi32> to vector<1xi32>
    %squeeze3A = vector.extract %slice3A[0] : i32 from vector<1xi32>
    %shift_right_arithmetic3A = arith.constant 3 : i32
    %shift_right_arithmetic3A_5 = arith.shrsi %squeeze3A, %shift_right_arithmetic3A : i32
    %and3A = arith.constant 7 : i32
    %and3A_6 = arith.andi %squeeze3A, %and3A : i32
    %dma_start3A = arith.constant 0 : i32
    %dma_start3A_7 = arith.constant 0 : i32
    %dma_start3A_8 = arith.constant 0 : i32
    %dma_start3A_9 = tpu.memref_slice %arg6[%dma_start3A, %dma_start3A_7, %dma_start3A_8] : memref<64x8x64xf32, #tpu.memory_space<vmem>> -> memref<1x1x64xf32, #tpu.memory_space<vmem>>
    %dma_start3A_10 = tpu.memref_squeeze %dma_start3A_9 : memref<1x1x64xf32, #tpu.memory_space<vmem>> -> memref<1x64xf32, #tpu.memory_space<vmem>>
    %dma_start3A_11 = arith.constant 0 : i32
    %dma_start3A_12 = tpu.memref_slice %arg2[%shift_right_arithmetic3A_5, %and3A_6, %dma_start3A_11] : memref<12500x8x64xf32, #tpu.memory_space<hbm>> -> memref<1x1x64xf32, #tpu.memory_space<hbm>>
    %dma_start3A_13 = tpu.memref_squeeze %dma_start3A_12 : memref<1x1x64xf32, #tpu.memory_space<hbm>> -> memref<1x64xf32, #tpu.memory_space<hbm>>
    %dma_start3A_14 = arith.constant 0 : i32
    %dma_start3A_15 = arith.constant 0 : i32
    %dma_start3A_16 = tpu.memref_slice %arg6[%dma_start3A, %dma_start3A_14, %dma_start3A_15] : memref<64x8x64xf32, #tpu.memory_space<vmem>> -> memref<1x1x64xf32, #tpu.memory_space<vmem>>
    %dma_start3A_17 = tpu.memref_squeeze %dma_start3A_16 : memref<1x1x64xf32, #tpu.memory_space<vmem>> -> memref<1x64xf32, #tpu.memory_space<vmem>>
    %dma_start3A_18 = arith.constant 0 : i32
    %dma_start3A_19 = tpu.memref_slice %arg2[%shift_right_arithmetic3A_5, %and3A_6, %dma_start3A_18] : memref<12500x8x64xf32, #tpu.memory_space<hbm>> -> memref<1x1x64xf32, #tpu.memory_space<hbm>>
    %dma_start3A_20 = tpu.memref_squeeze %dma_start3A_19 : memref<1x1x64xf32, #tpu.memory_space<hbm>> -> memref<1x64xf32, #tpu.memory_space<hbm>>
    tpu.enqueue_dma source(%dma_start3A_20 : memref<1x64xf32, #tpu.memory_space<hbm>>) target(%dma_start3A_17 : memref<1x64xf32, #tpu.memory_space<vmem>>) target_semaphore(%arg7 : memref<!tpu.dma_semaphore, #tpu.memory_space<semaphore_mem>>)
    %slice3A_21 = vector.extract_strided_slice %get3A_4 {offsets = [1], sizes = [1], strides = [1]} : vector<16xi32> to vector<1xi32>
    %squeeze3A_22 = vector.extract %slice3A_21[0] : i32 from vector<1xi32>
    %shift_right_arithmetic3A_23 = arith.constant 3 : i32
    %shift_right_arithmetic3A_24 = arith.shrsi %squeeze3A_22, %shift_right_arithmetic3A_23 : i32
    %and3A_25 = arith.constant 7 : i32
    %and3A_26 = arith.andi %squeeze3A_22, %and3A_25 : i32
    %dma_start3A_27 = arith.constant 0 : i32
    %dma_start3A_28 = arith.constant 1 : i32
    %dma_start3A_29 = arith.constant 0 : i32
    %dma_start3A_30 = tpu.memref_slice %arg6[%dma_start3A_27, %dma_start3A_28, %dma_start3A_29] : memref<64x8x64xf32, #tpu.memory_space<vmem>> -> memref<1x1x64xf32, #tpu.memory_space<vmem>>
    %dma_start3A_31 = tpu.memref_squeeze %dma_start3A_30 : memref<1x1x64xf32, #tpu.memory_space<vmem>> -> memref<1x64xf32, #tpu.memory_space<vmem>>
    %dma_start3A_32 = arith.constant 0 : i32
    %dma_start3A_33 = tpu.memref_slice %arg2[%shift_right_arithmetic3A_24, %and3A_26, %dma_start3A_32] : memref<12500x8x64xf32, #tpu.memory_space<hbm>> -> memref<1x1x64xf32, #tpu.memory_space<hbm>>
    %dma_start3A_34 = tpu.memref_squeeze %dma_start3A_33 : memref<1x1x64xf32, #tpu.memory_space<hbm>> -> memref<1x64xf32, #tpu.memory_space<hbm>>
    %dma_start3A_35 = arith.constant 1 : i32
    %dma_start3A_36 = arith.constant 0 : i32
    %dma_start3A_37 = tpu.memref_slice %arg6[%dma_start3A_27, %dma_start3A_35, %dma_start3A_36] : memref<64x8x64xf32, #tpu.memory_space<vmem>> -> memref<1x1x64xf32, #tpu.memory_space<vmem>>
    %dma_start3A_38 = tpu.memref_squeeze %dma_start3A_37 : memref<1x1x64xf32, #tpu.memory_space<vmem>> -> memref<1x64xf32, #tpu.memory_space<vmem>>
    %dma_start3A_39 = arith.constant 0 : i32
    %dma_start3A_40 = tpu.memref_slice %arg2[%shift_right_arithmetic3A_24, %and3A_26, %dma_start3A_39] : memref<12500x8x64xf32, #tpu.memory_space<hbm>> -> memref<1x1x64xf32, #tpu.memory_space<hbm>>
    %dma_start3A_41 = tpu.memref_squeeze %dma_start3A_40 : memref<1x1x64xf32, #tpu.memory_space<hbm>> -> memref<1x64xf32, #tpu.memory_space<hbm>>
    tpu.enqueue_dma source(%dma_start3A_41 : memref<1x64xf32, #tpu.memory_space<hbm>>) target(%dma_start3A_38 : memref<1x64xf32, #tpu.memory_space<vmem>>) target_semaphore(%arg7 : memref<!tpu.dma_semaphore, #tpu.memory_space<semaphore_mem>>)
    %slice3A_42 = vector.extract_strided_slice %get3A_4 {offsets = [2], sizes = [1], strides = [1]} : vector<16xi32> to vector<1xi32>
    %squeeze3A_43 = vector.extract %slice3A_42[0] : i32 from vector<1xi32>
    %shift_right_arithmetic3A_44 = arith.constant 3 : i32
    %shift_right_arithmetic3A_45 = arith.shrsi %squeeze3A_43, %shift_right_arithmetic3A_44 : i32
    %and3A_46 = arith.constant 7 : i32
    %and3A_47 = arith.andi %squeeze3A_43, %and3A_46 : i32
    %dma_start3A_48 = arith.constant 0 : i32
    %dma_start3A_49 = arith.constant 2 : i32
    %dma_start3A_50 = arith.constant 0 : i32
    %dma_start3A_51 = tpu.memref_slice %arg6[%dma_start3A_48, %dma_start3A_49, %dma_start3A_50] : memref<64x8x64xf32, #tpu.memory_space<vmem>> -> memref<1x1x64xf32, #tpu.memory_space<vmem>>
    %dma_start3A_52 = tpu.memref_squeeze %dma_start3A_51 : memref<1x1x64xf32, #tpu.memory_space<vmem>> -> memref<1x64xf32, #tpu.memory_space<vmem>>
    %dma_start3A_53 = arith.constant 0 : i32
    %dma_start3A_54 = tpu.memref_slice %arg2[%shift_right_arithmetic3A_45, %and3A_47, %dma_start3A_53] : memref<12500x8x64xf32, #tpu.memory_space<hbm>> -> memref<1x1x64xf32, #tpu.memory_space<hbm>>
    %dma_start3A_55 = tpu.memref_squeeze %dma_start3A_54 : memref<1x1x64xf32, #tpu.memory_space<hbm>> -> memref<1x64xf32, #tpu.memory_space<hbm>>
    %dma_start3A_56 = arith.constant 2 : i32
    %dma_start3A_57 = arith.constant 0 : i32
    %dma_start3A_58 = tpu.memref_slice %arg6[%dma_start3A_48, %dma_start3A_56, %dma_start3A_57] : memref<64x8x64xf32, #tpu.memory_space<vmem>> -> memref<1x1x64xf32, #tpu.memory_space<vmem>>
    %dma_start3A_59 = tpu.memref_squeeze %dma_start3A_58 : memref<1x1x64xf32, #tpu.memory_space<vmem>> -> memref<1x64xf32, #tpu.memory_space<vmem>>
    %dma_start3A_60 = arith.constant 0 : i32
    %dma_start3A_61 = tpu.memref_slice %arg2[%shift_right_arithmetic3A_45, %and3A_47, %dma_start3A_60] : memref<12500x8x64xf32, #tpu.memory_space<hbm>> -> memref<1x1x64xf32, #tpu.memory_space<hbm>>
    %dma_start3A_62 = tpu.memref_squeeze %dma_start3A_61 : memref<1x1x64xf32, #tpu.memory_space<hbm>> -> memref<1x64xf32, #tpu.memory_space<hbm>>
    tpu.enqueue_dma source(%dma_start3A_62 : memref<1x64xf32, #tpu.memory_space<hbm>>) target(%dma_start3A_59 : memref<1x64xf32, #tpu.memory_space<vmem>>) target_semaphore(%arg7 : memref<!tpu.dma_semaphore, #tpu.memory_space<semaphore_mem>>)
    %slice3A_63 = vector.extract_strided_slice %get3A_4 {offsets = [3], sizes = [1], strides = [1]} : vector<16xi32> to vector<1xi32>
    %squeeze3A_64 = vector.extract %slice3A_63[0] : i32 from vector<1xi32>
    %shift_right_arithmetic3A_65 = arith.constant 3 : i32
    %shift_right_arithmetic3A_66 = arith.shrsi %squeeze3A_64, %shift_right_arithmetic3A_65 : i32
    %and3A_67 = arith.constant 7 : i32
    %and3A_68 = arith.andi %squeeze3A_64, %and3A_67 : i32
    %dma_start3A_69 = arith.constant 0 : i32
    %dma_start3A_70 = arith.constant 3 : i32
    %dma_start3A_71 = arith.constant 0 : i32
    %dma_start3A_72 = tpu.memref_slice %arg6[%dma_start3A_69, %dma_start3A_70, %dma_start3A_71] : memref<64x8x64xf32, #tpu.memory_space<vmem>> -> memref<1x1x64xf32, #tpu.memory_space<vmem>>
    %dma_start3A_73 = tpu.memref_squeeze %dma_start3A_72 : memref<1x1x64xf32, #tpu.memory_space<vmem>> -> memref<1x64xf32, #tpu.memory_space<vmem>>
    %dma_start3A_74 = arith.constant 0 : i32
    %dma_start3A_75 = tpu.memref_slice %arg2[%shift_right_arithmetic3A_66, %and3A_68, %dma_start3A_74] : memref<12500x8x64xf32, #tpu.memory_space<hbm>> -> memref<1x1x64xf32, #tpu.memory_space<hbm>>
    %dma_start3A_76 = tpu.memref_squeeze %dma_start3A_75 : memref<1x1x64xf32, #tpu.memory_space<hbm>> -> memref<1x64xf32, #tpu.memory_space<hbm>>
    %dma_start3A_77 = arith.constant 3 : i32
    %dma_start3A_78 = arith.constant 0 : i32
    %dma_start3A_79 = tpu.memref_slice %arg6[%dma_start3A_69, %dma_start3A_77, %dma_start3A_78] : memref<64x8x64xf32, #tpu.memory_space<vmem>> -> memref<1x1x64xf32, #tpu.memory_space<vmem>>
    %dma_start3A_80 = tpu.memref_squeeze %dma_start3A_79 : memref<1x1x64xf32, #tpu.memory_space<vmem>> -> memref<1x64xf32, #tpu.memory_space<vmem>>
    %dma_start3A_81 = arith.constant 0 : i32
    %dma_start3A_82 = tpu.memref_slice %arg2[%shift_right_arithmetic3A_66, %and3A_68, %dma_start3A_81] : memref<12500x8x64xf32, #tpu.memory_space<hbm>> -> memref<1x1x64xf32, #tpu.memory_space<hbm>>
    %dma_start3A_83 = tpu.memref_squeeze %dma_start3A_82 : memref<1x1x64xf32, #tpu.memory_space<hbm>> -> memref<1x64xf32, #tpu.memory_space<hbm>>
    tpu.enqueue_dma source(%dma_start3A_83 : memref<1x64xf32, #tpu.memory_space<hbm>>) target(%dma_start3A_80 : memref<1x64xf32, #tpu.memory_space<vmem>>) target_semaphore(%arg7 : memref<!tpu.dma_semaphore, #tpu.memory_space<semaphore_mem>>)
    %slice3A_84 = vector.extract_strided_slice %get3A_4 {offsets = [4], sizes = [1], strides = [1]} : vector<16xi32> to vector<1xi32>
    %squeeze3A_85 = vector.extract %slice3A_84[0] : i32 from vector<1xi32>
    %shift_right_arithmetic3A_86 = arith.constant 3 : i32
    %shift_right_arithmetic3A_87 = arith.shrsi %squeeze3A_85, %shift_right_arithmetic3A_86 : i32
    %and3A_88 = arith.constant 7 : i32
    %and3A_89 = arith.andi %squeeze3A_85, %and3A_88 : i32
    %dma_start3A_90 = arith.constant 0 : i32
    %dma_start3A_91 = arith.constant 4 : i32
    %dma_start3A_92 = arith.constant 0 : i32
    %dma_start3A_93 = tpu.memref_slice %arg6[%dma_start3A_90, %dma_start3A_91, %dma_start3A_92] : memref<64x8x64xf32, #tpu.memory_space<vmem>> -> memref<1x1x64xf32, #tpu.memory_space<vmem>>
    %dma_start3A_94 = tpu.memref_squeeze %dma_start3A_93 : memref<1x1x64xf32, #tpu.memory_space<vmem>> -> memref<1x64xf32, #tpu.memory_space<vmem>>
    %dma_start3A_95 = arith.constant 0 : i32
    %dma_start3A_96 = tpu.memref_slice %arg2[%shift_right_arithmetic3A_87, %and3A_89, %dma_start3A_95] : memref<12500x8x64xf32, #tpu.memory_space<hbm>> -> memref<1x1x64xf32, #tpu.memory_space<hbm>>
    %dma_start3A_97 = tpu.memref_squeeze %dma_start3A_96 : memref<1x1x64xf32, #tpu.memory_space<hbm>> -> memref<1x64xf32, #tpu.memory_space<hbm>>
    %dma_start3A_98 = arith.constant 4 : i32
    %dma_start3A_99 = arith.constant 0 : i32
    %dma_start3A_100 = tpu.memref_slice %arg6[%dma_start3A_90, %dma_start3A_98, %dma_start3A_99] : memref<64x8x64xf32, #tpu.memory_space<vmem>> -> memref<1x1x64xf32, #tpu.memory_space<vmem>>
    %dma_start3A_101 = tpu.memref_squeeze %dma_start3A_100 : memref<1x1x64xf32, #tpu.memory_space<vmem>> -> memref<1x64xf32, #tpu.memory_space<vmem>>
    %dma_start3A_102 = arith.constant 0 : i32
    %dma_start3A_103 = tpu.memref_slice %arg2[%shift_right_arithmetic3A_87, %and3A_89, %dma_start3A_102] : memref<12500x8x64xf32, #tpu.memory_space<hbm>> -> memref<1x1x64xf32, #tpu.memory_space<hbm>>
    %dma_start3A_104 = tpu.memref_squeeze %dma_start3A_103 : memref<1x1x64xf32, #tpu.memory_space<hbm>> -> memref<1x64xf32, #tpu.memory_space<hbm>>
    tpu.enqueue_dma source(%dma_start3A_104 : memref<1x64xf32, #tpu.memory_space<hbm>>) target(%dma_start3A_101 : memref<1x64xf32, #tpu.memory_space<vmem>>) target_semaphore(%arg7 : memref<!tpu.dma_semaphore, #tpu.memory_space<semaphore_mem>>)
    %slice3A_105 = vector.extract_strided_slice %get3A_4 {offsets = [5], sizes = [1], strides = [1]} : vector<16xi32> to vector<1xi32>
    %squeeze3A_106 = vector.extract %slice3A_105[0] : i32 from vector<1xi32>
    %shift_right_arithmetic3A_107 = arith.constant 3 : i32
    %shift_right_arithmetic3A_108 = arith.shrsi %squeeze3A_106, %shift_right_arithmetic3A_107 : i32
    %and3A_109 = arith.constant 7 : i32
    %and3A_110 = arith.andi %squeeze3A_106, %and3A_109 : i32
    %dma_start3A_111 = arith.constant 0 : i32
    %dma_start3A_112 = arith.constant 5 : i32
    %dma_start3A_113 = arith.constant 0 : i32
    %dma_start3A_114 = tpu.memref_slice %arg6[%dma_start3A_111, %dma_start3A_112, %dma_start3A_113] : memref<64x8x64xf32, #tpu.memory_space<vmem>> -> memref<1x1x64xf32, #tpu.memory_space<vmem>>
    %dma_start3A_115 = tpu.memref_squeeze %dma_start3A_114 : memref<1x1x64xf32, #tpu.memory_space<vmem>> -> memref<1x64xf32, #tpu.memory_space<vmem>>
    %dma_start3A_116 = arith.constant 0 : i32
    %dma_start3A_117 = tpu.memref_slice %arg2[%shift_right_arithmetic3A_108, %and3A_110, %dma_start3A_116] : memref<12500x8x64xf32, #tpu.memory_space<hbm>> -> memref<1x1x64xf32, #tpu.memory_space<hbm>>
    %dma_start3A_118 = tpu.memref_squeeze %dma_start3A_117 : memref<1x1x64xf32, #tpu.memory_space<hbm>> -> memref<1x64xf32, #tpu.memory_space<hbm>>
    %dma_start3A_119 = arith.constant 5 : i32
    %dma_start3A_120 = arith.constant 0 : i32
    %dma_start3A_121 = tpu.memref_slice %arg6[%dma_start3A_111, %dma_start3A_119, %dma_start3A_120] : memref<64x8x64xf32, #tpu.memory_space<vmem>> -> memref<1x1x64xf32, #tpu.memory_space<vmem>>
    %dma_start3A_122 = tpu.memref_squeeze %dma_start3A_121 : memref<1x1x64xf32, #tpu.memory_space<vmem>> -> memref<1x64xf32, #tpu.memory_space<vmem>>
    %dma_start3A_123 = arith.constant 0 : i32
    %dma_start3A_124 = tpu.memref_slice %arg2[%shift_right_arithmetic3A_108, %and3A_110, %dma_start3A_123] : memref<12500x8x64xf32, #tpu.memory_space<hbm>> -> memref<1x1x64xf32, #tpu.memory_space<hbm>>
    %dma_start3A_125 = tpu.memref_squeeze %dma_start3A_124 : memref<1x1x64xf32, #tpu.memory_space<hbm>> -> memref<1x64xf32, #tpu.memory_space<hbm>>
    tpu.enqueue_dma source(%dma_start3A_125 : memref<1x64xf32, #tpu.memory_space<hbm>>) target(%dma_start3A_122 : memref<1x64xf32, #tpu.memory_space<vmem>>) target_semaphore(%arg7 : memref<!tpu.dma_semaphore, #tpu.memory_space<semaphore_mem>>)
    %slice3A_126 = vector.extract_strided_slice %get3A_4 {offsets = [6], sizes = [1], strides = [1]} : vector<16xi32> to vector<1xi32>
    %squeeze3A_127 = vector.extract %slice3A_126[0] : i32 from vector<1xi32>
    %shift_right_arithmetic3A_128 = arith.constant 3 : i32
    %shift_right_arithmetic3A_129 = arith.shrsi %squeeze3A_127, %shift_right_arithmetic3A_128 : i32
    %and3A_130 = arith.constant 7 : i32
    %and3A_131 = arith.andi %squeeze3A_127, %and3A_130 : i32
    %dma_start3A_132 = arith.constant 0 : i32
    %dma_start3A_133 = arith.constant 6 : i32
    %dma_start3A_134 = arith.constant 0 : i32
    %dma_start3A_135 = tpu.memref_slice %arg6[%dma_start3A_132, %dma_start3A_133, %dma_start3A_134] : memref<64x8x64xf32, #tpu.memory_space<vmem>> -> memref<1x1x64xf32, #tpu.memory_space<vmem>>
    %dma_start3A_136 = tpu.memref_squeeze %dma_start3A_135 : memref<1x1x64xf32, #tpu.memory_space<vmem>> -> memref<1x64xf32, #tpu.memory_space<vmem>>
    %dma_start3A_137 = arith.constant 0 : i32
    %dma_start3A_138 = tpu.memref_slice %arg2[%shift_right_arithmetic3A_129, %and3A_131, %dma_start3A_137] : memref<12500x8x64xf32, #tpu.memory_space<hbm>> -> memref<1x1x64xf32, #tpu.memory_space<hbm>>
    %dma_start3A_139 = tpu.memref_squeeze %dma_start3A_138 : memref<1x1x64xf32, #tpu.memory_space<hbm>> -> memref<1x64xf32, #tpu.memory_space<hbm>>
    %dma_start3A_140 = arith.constant 6 : i32
    %dma_start3A_141 = arith.constant 0 : i32
    %dma_start3A_142 = tpu.memref_slice %arg6[%dma_start3A_132, %dma_start3A_140, %dma_start3A_141] : memref<64x8x64xf32, #tpu.memory_space<vmem>> -> memref<1x1x64xf32, #tpu.memory_space<vmem>>
    %dma_start3A_143 = tpu.memref_squeeze %dma_start3A_142 : memref<1x1x64xf32, #tpu.memory_space<vmem>> -> memref<1x64xf32, #tpu.memory_space<vmem>>
    %dma_start3A_144 = arith.constant 0 : i32
    %dma_start3A_145 = tpu.memref_slice %arg2[%shift_right_arithmetic3A_129, %and3A_131, %dma_start3A_144] : memref<12500x8x64xf32, #tpu.memory_space<hbm>> -> memref<1x1x64xf32, #tpu.memory_space<hbm>>
    %dma_start3A_146 = tpu.memref_squeeze %dma_start3A_145 : memref<1x1x64xf32, #tpu.memory_space<hbm>> -> memref<1x64xf32, #tpu.memory_space<hbm>>
    tpu.enqueue_dma source(%dma_start3A_146 : memref<1x64xf32, #tpu.memory_space<hbm>>) target(%dma_start3A_143 : memref<1x64xf32, #tpu.memory_space<vmem>>) target_semaphore(%arg7 : memref<!tpu.dma_semaphore, #tpu.memory_space<semaphore_mem>>)
    %slice3A_147 = vector.extract_strided_slice %get3A_4 {offsets = [7], sizes = [1], strides = [1]} : vector<16xi32> to vector<1xi32>
    %squeeze3A_148 = vector.extract %slice3A_147[0] : i32 from vector<1xi32>
    %shift_right_arithmetic3A_149 = arith.constant 3 : i32
    %shift_right_arithmetic3A_150 = arith.shrsi %squeeze3A_148, %shift_right_arithmetic3A_149 : i32
    %and3A_151 = arith.constant 7 : i32
    %and3A_152 = arith.andi %squeeze3A_148, %and3A_151 : i32
    %dma_start3A_153 = arith.constant 0 : i32
    %dma_start3A_154 = arith.constant 7 : i32
    %dma_start3A_155 = arith.constant 0 : i32
    %dma_start3A_156 = tpu.memref_slice %arg6[%dma_start3A_153, %dma_start3A_154, %dma_start3A_155] : memref<64x8x64xf32, #tpu.memory_space<vmem>> -> memref<1x1x64xf32, #tpu.memory_space<vmem>>
    %dma_start3A_157 = tpu.memref_squeeze %dma_start3A_156 : memref<1x1x64xf32, #tpu.memory_space<vmem>> -> memref<1x64xf32, #tpu.memory_space<vmem>>
    %dma_start3A_158 = arith.constant 0 : i32
    %dma_start3A_159 = tpu.memref_slice %arg2[%shift_right_arithmetic3A_150, %and3A_152, %dma_start3A_158] : memref<12500x8x64xf32, #tpu.memory_space<hbm>> -> memref<1x1x64xf32, #tpu.memory_space<hbm>>
    %dma_start3A_160 = tpu.memref_squeeze %dma_start3A_159 : memref<1x1x64xf32, #tpu.memory_space<hbm>> -> memref<1x64xf32, #tpu.memory_space<hbm>>
    %dma_start3A_161 = arith.constant 7 : i32
    %dma_start3A_162 = arith.constant 0 : i32
    %dma_start3A_163 = tpu.memref_slice %arg6[%dma_start3A_153, %dma_start3A_161, %dma_start3A_162] : memref<64x8x64xf32, #tpu.memory_space<vmem>> -> memref<1x1x64xf32, #tpu.memory_space<vmem>>
    %dma_start3A_164 = tpu.memref_squeeze %dma_start3A_163 : memref<1x1x64xf32, #tpu.memory_space<vmem>> -> memref<1x64xf32, #tpu.memory_space<vmem>>
    %dma_start3A_165 = arith.constant 0 : i32
    %dma_start3A_166 = tpu.memref_slice %arg2[%shift_right_arithmetic3A_150, %and3A_152, %dma_start3A_165] : memref<12500x8x64xf32, #tpu.memory_space<hbm>> -> memref<1x1x64xf32, #tpu.memory_space<hbm>>
    %dma_start3A_167 = tpu.memref_squeeze %dma_start3A_166 : memref<1x1x64xf32, #tpu.memory_space<hbm>> -> memref<1x64xf32, #tpu.memory_space<hbm>>
    tpu.enqueue_dma source(%dma_start3A_167 : memref<1x64xf32, #tpu.memory_space<hbm>>) target(%dma_start3A_164 : memref<1x64xf32, #tpu.memory_space<vmem>>) target_semaphore(%arg7 : memref<!tpu.dma_semaphore, #tpu.memory_space<semaphore_mem>>)
    %slice3A_168 = vector.extract_strided_slice %get3A_4 {offsets = [8], sizes = [1], strides = [1]} : vector<16xi32> to vector<1xi32>
    %squeeze3A_169 = vector.extract %slice3A_168[0] : i32 from vector<1xi32>
    %shift_right_arithmetic3A_170 = arith.constant 3 : i32
    %shift_right_arithmetic3A_171 = arith.shrsi %squeeze3A_169, %shift_right_arithmetic3A_170 : i32
    %and3A_172 = arith.constant 7 : i32
    %and3A_173 = arith.andi %squeeze3A_169, %and3A_172 : i32
    %dma_start3A_174 = arith.constant 1 : i32
    %dma_start3A_175 = arith.constant 0 : i32
    %dma_start3A_176 = arith.constant 0 : i32
    %dma_start3A_177 = tpu.memref_slice %arg6[%dma_start3A_174, %dma_start3A_175, %dma_start3A_176] : memref<64x8x64xf32, #tpu.memory_space<vmem>> -> memref<1x1x64xf32, #tpu.memory_space<vmem>>
    %dma_start3A_178 = tpu.memref_squeeze %dma_start3A_177 : memref<1x1x64xf32, #tpu.memory_space<vmem>> -> memref<1x64xf32, #tpu.memory_space<vmem>>
    %dma_start3A_179 = arith.constant 0 : i32
    %dma_start3A_180 = tpu.memref_slice %arg2[%shift_right_arithmetic3A_171, %and3A_173, %dma_start3A_179] : memref<12500x8x64xf32, #tpu.memory_space<hbm>> -> memref<1x1x64xf32, #tpu.memory_space<hbm>>
    %dma_start3A_181 = tpu.memref_squeeze %dma_start3A_180 : memref<1x1x64xf32, #tpu.memory_space<hbm>> -> memref<1x64xf32, #tpu.memory_space<hbm>>
    %dma_start3A_182 = arith.constant 0 : i32
    %dma_start3A_183 = arith.constant 0 : i32
    %dma_start3A_184 = tpu.memref_slice %arg6[%dma_start3A_174, %dma_start3A_182, %dma_start3A_183] : memref<64x8x64xf32, #tpu.memory_space<vmem>> -> memref<1x1x64xf32, #tpu.memory_space<vmem>>
    %dma_start3A_185 = tpu.memref_squeeze %dma_start3A_184 : memref<1x1x64xf32, #tpu.memory_space<vmem>> -> memref<1x64xf32, #tpu.memory_space<vmem>>
    %dma_start3A_186 = arith.constant 0 : i32
    %dma_start3A_187 = tpu.memref_slice %arg2[%shift_right_arithmetic3A_171, %and3A_173, %dma_start3A_186] : memref<12500x8x64xf32, #tpu.memory_space<hbm>> -> memref<1x1x64xf32, #tpu.memory_space<hbm>>
    %dma_start3A_188 = tpu.memref_squeeze %dma_start3A_187 : memref<1x1x64xf32, #tpu.memory_space<hbm>> -> memref<1x64xf32, #tpu.memory_space<hbm>>
    tpu.enqueue_dma source(%dma_start3A_188 : memref<1x64xf32, #tpu.memory_space<hbm>>) target(%dma_start3A_185 : memref<1x64xf32, #tpu.memory_space<vmem>>) target_semaphore(%arg7 : memref<!tpu.dma_semaphore, #tpu.memory_space<semaphore_mem>>)
    %slice3A_189 = vector.extract_strided_slice %get3A_4 {offsets = [9], sizes = [1], strides = [1]} : vector<16xi32> to vector<1xi32>
    %squeeze3A_190 = vector.extract %slice3A_189[0] : i32 from vector<1xi32>
    %shift_right_arithmetic3A_191 = arith.constant 3 : i32
    %shift_right_arithmetic3A_192 = arith.shrsi %squeeze3A_190, %shift_right_arithmetic3A_191 : i32
    %and3A_193 = arith.constant 7 : i32
    %and3A_194 = arith.andi %squeeze3A_190, %and3A_193 : i32
    %dma_start3A_195 = arith.constant 1 : i32
    %dma_start3A_196 = arith.constant 1 : i32
    %dma_start3A_197 = arith.constant 0 : i32
    %dma_start3A_198 = tpu.memref_slice %arg6[%dma_start3A_195, %dma_start3A_196, %dma_start3A_197] : memref<64x8x64xf32, #tpu.memory_space<vmem>> -> memref<1x1x64xf32, #tpu.memory_space<vmem>>
    %dma_start3A_199 = tpu.memref_squeeze %dma_start3A_198 : memref<1x1x64xf32, #tpu.memory_space<vmem>> -> memref<1x64xf32, #tpu.memory_space<vmem>>
    %dma_start3A_200 = arith.constant 0 : i32
    %dma_start3A_201 = tpu.memref_slice %arg2[%shift_right_arithmetic3A_192, %and3A_194, %dma_start3A_200] : memref<12500x8x64xf32, #tpu.memory_space<hbm>> -> memref<1x1x64xf32, #tpu.memory_space<hbm>>
    %dma_start3A_202 = tpu.memref_squeeze %dma_start3A_201 : memref<1x1x64xf32, #tpu.memory_space<hbm>> -> memref<1x64xf32, #tpu.memory_space<hbm>>
    %dma_start3A_203 = arith.constant 1 : i32
    %dma_start3A_204 = arith.constant 0 : i32
    %dma_start3A_205 = tpu.memref_slice %arg6[%dma_start3A_195, %dma_start3A_203, %dma_start3A_204] : memref<64x8x64xf32, #tpu.memory_space<vmem>> -> memref<1x1x64xf32, #tpu.memory_space<vmem>>
    %dma_start3A_206 = tpu.memref_squeeze %dma_start3A_205 : memref<1x1x64xf32, #tpu.memory_space<vmem>> -> memref<1x64xf32, #tpu.memory_space<vmem>>
    %dma_start3A_207 = arith.constant 0 : i32
    %dma_start3A_208 = tpu.memref_slice %arg2[%shift_right_arithmetic3A_192, %and3A_194, %dma_start3A_207] : memref<12500x8x64xf32, #tpu.memory_space<hbm>> -> memref<1x1x64xf32, #tpu.memory_space<hbm>>
    %dma_start3A_209 = tpu.memref_squeeze %dma_start3A_208 : memref<1x1x64xf32, #tpu.memory_space<hbm>> -> memref<1x64xf32, #tpu.memory_space<hbm>>
    tpu.enqueue_dma source(%dma_start3A_209 : memref<1x64xf32, #tpu.memory_space<hbm>>) target(%dma_start3A_206 : memref<1x64xf32, #tpu.memory_space<vmem>>) target_semaphore(%arg7 : memref<!tpu.dma_semaphore, #tpu.memory_space<semaphore_mem>>)
    %slice3A_210 = vector.extract_strided_slice %get3A_4 {offsets = [10], sizes = [1], strides = [1]} : vector<16xi32> to vector<1xi32>
    %squeeze3A_211 = vector.extract %slice3A_210[0] : i32 from vector<1xi32>
    %shift_right_arithmetic3A_212 = arith.constant 3 : i32
    %shift_right_arithmetic3A_213 = arith.shrsi %squeeze3A_211, %shift_right_arithmetic3A_212 : i32
    %and3A_214 = arith.constant 7 : i32
    %and3A_215 = arith.andi %squeeze3A_211, %and3A_214 : i32
    %dma_start3A_216 = arith.constant 1 : i32
    %dma_start3A_217 = arith.constant 2 : i32
    %dma_start3A_218 = arith.constant 0 : i32
    %dma_start3A_219 = tpu.memref_slice %arg6[%dma_start3A_216, %dma_start3A_217, %dma_start3A_218] : memref<64x8x64xf32, #tpu.memory_space<vmem>> -> memref<1x1x64xf32, #tpu.memory_space<vmem>>
    %dma_start3A_220 = tpu.memref_squeeze %dma_start3A_219 : memref<1x1x64xf32, #tpu.memory_space<vmem>> -> memref<1x64xf32, #tpu.memory_space<vmem>>
    %dma_start3A_221 = arith.constant 0 : i32
    %dma_start3A_222 = tpu.memref_slice %arg2[%shift_right_arithmetic3A_213, %and3A_215, %dma_start3A_221] : memref<12500x8x64xf32, #tpu.memory_space<hbm>> -> memref<1x1x64xf32, #tpu.memory_space<hbm>>
    %dma_start3A_223 = tpu.memref_squeeze %dma_start3A_222 : memref<1x1x64xf32, #tpu.memory_space<hbm>> -> memref<1x64xf32, #tpu.memory_space<hbm>>
    %dma_start3A_224 = arith.constant 2 : i32
    %dma_start3A_225 = arith.constant 0 : i32
    %dma_start3A_226 = tpu.memref_slice %arg6[%dma_start3A_216, %dma_start3A_224, %dma_start3A_225] : memref<64x8x64xf32, #tpu.memory_space<vmem>> -> memref<1x1x64xf32, #tpu.memory_space<vmem>>
    %dma_start3A_227 = tpu.memref_squeeze %dma_start3A_226 : memref<1x1x64xf32, #tpu.memory_space<vmem>> -> memref<1x64xf32, #tpu.memory_space<vmem>>
    %dma_start3A_228 = arith.constant 0 : i32
    %dma_start3A_229 = tpu.memref_slice %arg2[%shift_right_arithmetic3A_213, %and3A_215, %dma_start3A_228] : memref<12500x8x64xf32, #tpu.memory_space<hbm>> -> memref<1x1x64xf32, #tpu.memory_space<hbm>>
    %dma_start3A_230 = tpu.memref_squeeze %dma_start3A_229 : memref<1x1x64xf32, #tpu.memory_space<hbm>> -> memref<1x64xf32, #tpu.memory_space<hbm>>
    tpu.enqueue_dma source(%dma_start3A_230 : memref<1x64xf32, #tpu.memory_space<hbm>>) target(%dma_start3A_227 : memref<1x64xf32, #tpu.memory_space<vmem>>) target_semaphore(%arg7 : memref<!tpu.dma_semaphore, #tpu.memory_space<semaphore_mem>>)
    %slice3A_231 = vector.extract_strided_slice %get3A_4 {offsets = [11], sizes = [1], strides = [1]} : vector<16xi32> to vector<1xi32>
    %squeeze3A_232 = vector.extract %slice3A_231[0] : i32 from vector<1xi32>
    %shift_right_arithmetic3A_233 = arith.constant 3 : i32
    %shift_right_arithmetic3A_234 = arith.shrsi %squeeze3A_232, %shift_right_arithmetic3A_233 : i32
    %and3A_235 = arith.constant 7 : i32
    %and3A_236 = arith.andi %squeeze3A_232, %and3A_235 : i32
    %dma_start3A_237 = arith.constant 1 : i32
    %dma_start3A_238 = arith.constant 3 : i32
    %dma_start3A_239 = arith.constant 0 : i32
    %dma_start3A_240 = tpu.memref_slice %arg6[%dma_start3A_237, %dma_start3A_238, %dma_start3A_239] : memref<64x8x64xf32, #tpu.memory_space<vmem>> -> memref<1x1x64xf32, #tpu.memory_space<vmem>>
    %dma_start3A_241 = tpu.memref_squeeze %dma_start3A_240 : memref<1x1x64xf32, #tpu.memory_space<vmem>> -> memref<1x64xf32, #tpu.memory_space<vmem>>
    %dma_start3A_242 = arith.constant 0 : i32
    %dma_start3A_243 = tpu.memref_slice %arg2[%shift_right_arithmetic3A_234, %and3A_236, %dma_start3A_242] : memref<12500x8x64xf32, #tpu.memory_space<hbm>> -> memref<1x1x64xf32, #tpu.memory_space<hbm>>
    %dma_start3A_244 = tpu.memref_squeeze %dma_start3A_243 : memref<1x1x64xf32, #tpu.memory_space<hbm>> -> memref<1x64xf32, #tpu.memory_space<hbm>>
    %dma_start3A_245 = arith.constant 3 : i32
    %dma_start3A_246 = arith.constant 0 : i32
    %dma_start3A_247 = tpu.memref_slice %arg6[%dma_start3A_237, %dma_start3A_245, %dma_start3A_246] : memref<64x8x64xf32, #tpu.memory_space<vmem>> -> memref<1x1x64xf32, #tpu.memory_space<vmem>>
    %dma_start3A_248 = tpu.memref_squeeze %dma_start3A_247 : memref<1x1x64xf32, #tpu.memory_space<vmem>> -> memref<1x64xf32, #tpu.memory_space<vmem>>
    %dma_start3A_249 = arith.constant 0 : i32
    %dma_start3A_250 = tpu.memref_slice %arg2[%shift_right_arithmetic3A_234, %and3A_236, %dma_start3A_249] : memref<12500x8x64xf32, #tpu.memory_space<hbm>> -> memref<1x1x64xf32, #tpu.memory_space<hbm>>
    %dma_start3A_251 = tpu.memref_squeeze %dma_start3A_250 : memref<1x1x64xf32, #tpu.memory_space<hbm>> -> memref<1x64xf32, #tpu.memory_space<hbm>>
    tpu.enqueue_dma source(%dma_start3A_251 : memref<1x64xf32, #tpu.memory_space<hbm>>) target(%dma_start3A_248 : memref<1x64xf32, #tpu.memory_space<vmem>>) target_semaphore(%arg7 : memref<!tpu.dma_semaphore, #tpu.memory_space<semaphore_mem>>)
    %slice3A_252 = vector.extract_strided_slice %get3A_4 {offsets = [12], sizes = [1], strides = [1]} : vector<16xi32> to vector<1xi32>
    %squeeze3A_253 = vector.extract %slice3A_252[0] : i32 from vector<1xi32>
    %shift_right_arithmetic3A_254 = arith.constant 3 : i32
    %shift_right_arithmetic3A_255 = arith.shrsi %squeeze3A_253, %shift_right_arithmetic3A_254 : i32
    %and3A_256 = arith.constant 7 : i32
    %and3A_257 = arith.andi %squeeze3A_253, %and3A_256 : i32
    %dma_start3A_258 = arith.constant 1 : i32
    %dma_start3A_259 = arith.constant 4 : i32
    %dma_start3A_260 = arith.constant 0 : i32
    %dma_start3A_261 = tpu.memref_slice %arg6[%dma_start3A_258, %dma_start3A_259, %dma_start3A_260] : memref<64x8x64xf32, #tpu.memory_space<vmem>> -> memref<1x1x64xf32, #tpu.memory_space<vmem>>
    %dma_start3A_262 = tpu.memref_squeeze %dma_start3A_261 : memref<1x1x64xf32, #tpu.memory_space<vmem>> -> memref<1x64xf32, #tpu.memory_space<vmem>>
    %dma_start3A_263 = arith.constant 0 : i32
    %dma_start3A_264 = tpu.memref_slice %arg2[%shift_right_arithmetic3A_255, %and3A_257, %dma_start3A_263] : memref<12500x8x64xf32, #tpu.memory_space<hbm>> -> memref<1x1x64xf32, #tpu.memory_space<hbm>>
    %dma_start3A_265 = tpu.memref_squeeze %dma_start3A_264 : memref<1x1x64xf32, #tpu.memory_space<hbm>> -> memref<1x64xf32, #tpu.memory_space<hbm>>
    %dma_start3A_266 = arith.constant 4 : i32
    %dma_start3A_267 = arith.constant 0 : i32
    %dma_start3A_268 = tpu.memref_slice %arg6[%dma_start3A_258, %dma_start3A_266, %dma_start3A_267] : memref<64x8x64xf32, #tpu.memory_space<vmem>> -> memref<1x1x64xf32, #tpu.memory_space<vmem>>
    %dma_start3A_269 = tpu.memref_squeeze %dma_start3A_268 : memref<1x1x64xf32, #tpu.memory_space<vmem>> -> memref<1x64xf32, #tpu.memory_space<vmem>>
    %dma_start3A_270 = arith.constant 0 : i32
    %dma_start3A_271 = tpu.memref_slice %arg2[%shift_right_arithmetic3A_255, %and3A_257, %dma_start3A_270] : memref<12500x8x64xf32, #tpu.memory_space<hbm>> -> memref<1x1x64xf32, #tpu.memory_space<hbm>>
    %dma_start3A_272 = tpu.memref_squeeze %dma_start3A_271 : memref<1x1x64xf32, #tpu.memory_space<hbm>> -> memref<1x64xf32, #tpu.memory_space<hbm>>
    tpu.enqueue_dma source(%dma_start3A_272 : memref<1x64xf32, #tpu.memory_space<hbm>>) target(%dma_start3A_269 : memref<1x64xf32, #tpu.memory_space<vmem>>) target_semaphore(%arg7 : memref<!tpu.dma_semaphore, #tpu.memory_space<semaphore_mem>>)
    %slice3A_273 = vector.extract_strided_slice %get3A_4 {offsets = [13], sizes = [1], strides = [1]} : vector<16xi32> to vector<1xi32>
    %squeeze3A_274 = vector.extract %slice3A_273[0] : i32 from vector<1xi32>
    %shift_right_arithmetic3A_275 = arith.constant 3 : i32
    %shift_right_arithmetic3A_276 = arith.shrsi %squeeze3A_274, %shift_right_arithmetic3A_275 : i32
    %and3A_277 = arith.constant 7 : i32
    %and3A_278 = arith.andi %squeeze3A_274, %and3A_277 : i32
    %dma_start3A_279 = arith.constant 1 : i32
    %dma_start3A_280 = arith.constant 5 : i32
    %dma_start3A_281 = arith.constant 0 : i32
    %dma_start3A_282 = tpu.memref_slice %arg6[%dma_start3A_279, %dma_start3A_280, %dma_start3A_281] : memref<64x8x64xf32, #tpu.memory_space<vmem>> -> memref<1x1x64xf32, #tpu.memory_space<vmem>>
    %dma_start3A_283 = tpu.memref_squeeze %dma_start3A_282 : memref<1x1x64xf32, #tpu.memory_space<vmem>> -> memref<1x64xf32, #tpu.memory_space<vmem>>
    %dma_start3A_284 = arith.constant 0 : i32
    %dma_start3A_285 = tpu.memref_slice %arg2[%shift_right_arithmetic3A_276, %and3A_278, %dma_start3A_284] : memref<12500x8x64xf32, #tpu.memory_space<hbm>> -> memref<1x1x64xf32, #tpu.memory_space<hbm>>
    %dma_start3A_286 = tpu.memref_squeeze %dma_start3A_285 : memref<1x1x64xf32, #tpu.memory_space<hbm>> -> memref<1x64xf32, #tpu.memory_space<hbm>>
    %dma_start3A_287 = arith.constant 5 : i32
    %dma_start3A_288 = arith.constant 0 : i32
    %dma_start3A_289 = tpu.memref_slice %arg6[%dma_start3A_279, %dma_start3A_287, %dma_start3A_288] : memref<64x8x64xf32, #tpu.memory_space<vmem>> -> memref<1x1x64xf32, #tpu.memory_space<vmem>>
    %dma_start3A_290 = tpu.memref_squeeze %dma_start3A_289 : memref<1x1x64xf32, #tpu.memory_space<vmem>> -> memref<1x64xf32, #tpu.memory_space<vmem>>
    %dma_start3A_291 = arith.constant 0 : i32
    %dma_start3A_292 = tpu.memref_slice %arg2[%shift_right_arithmetic3A_276, %and3A_278, %dma_start3A_291] : memref<12500x8x64xf32, #tpu.memory_space<hbm>> -> memref<1x1x64xf32, #tpu.memory_space<hbm>>
    %dma_start3A_293 = tpu.memref_squeeze %dma_start3A_292 : memref<1x1x64xf32, #tpu.memory_space<hbm>> -> memref<1x64xf32, #tpu.memory_space<hbm>>
    tpu.enqueue_dma source(%dma_start3A_293 : memref<1x64xf32, #tpu.memory_space<hbm>>) target(%dma_start3A_290 : memref<1x64xf32, #tpu.memory_space<vmem>>) target_semaphore(%arg7 : memref<!tpu.dma_semaphore, #tpu.memory_space<semaphore_mem>>)
    %slice3A_294 = vector.extract_strided_slice %get3A_4 {offsets = [14], sizes = [1], strides = [1]} : vector<16xi32> to vector<1xi32>
    %squeeze3A_295 = vector.extract %slice3A_294[0] : i32 from vector<1xi32>
    %shift_right_arithmetic3A_296 = arith.constant 3 : i32
    %shift_right_arithmetic3A_297 = arith.shrsi %squeeze3A_295, %shift_right_arithmetic3A_296 : i32
    %and3A_298 = arith.constant 7 : i32
    %and3A_299 = arith.andi %squeeze3A_295, %and3A_298 : i32
    %dma_start3A_300 = arith.constant 1 : i32
    %dma_start3A_301 = arith.constant 6 : i32
    %dma_start3A_302 = arith.constant 0 : i32
    %dma_start3A_303 = tpu.memref_slice %arg6[%dma_start3A_300, %dma_start3A_301, %dma_start3A_302] : memref<64x8x64xf32, #tpu.memory_space<vmem>> -> memref<1x1x64xf32, #tpu.memory_space<vmem>>
    %dma_start3A_304 = tpu.memref_squeeze %dma_start3A_303 : memref<1x1x64xf32, #tpu.memory_space<vmem>> -> memref<1x64xf32, #tpu.memory_space<vmem>>
    %dma_start3A_305 = arith.constant 0 : i32
    %dma_start3A_306 = tpu.memref_slice %arg2[%shift_right_arithmetic3A_297, %and3A_299, %dma_start3A_305] : memref<12500x8x64xf32, #tpu.memory_space<hbm>> -> memref<1x1x64xf32, #tpu.memory_space<hbm>>
    %dma_start3A_307 = tpu.memref_squeeze %dma_start3A_306 : memref<1x1x64xf32, #tpu.memory_space<hbm>> -> memref<1x64xf32, #tpu.memory_space<hbm>>
    %dma_start3A_308 = arith.constant 6 : i32
    %dma_start3A_309 = arith.constant 0 : i32
    %dma_start3A_310 = tpu.memref_slice %arg6[%dma_start3A_300, %dma_start3A_308, %dma_start3A_309] : memref<64x8x64xf32, #tpu.memory_space<vmem>> -> memref<1x1x64xf32, #tpu.memory_space<vmem>>
    %dma_start3A_311 = tpu.memref_squeeze %dma_start3A_310 : memref<1x1x64xf32, #tpu.memory_space<vmem>> -> memref<1x64xf32, #tpu.memory_space<vmem>>
    %dma_start3A_312 = arith.constant 0 : i32
    %dma_start3A_313 = tpu.memref_slice %arg2[%shift_right_arithmetic3A_297, %and3A_299, %dma_start3A_312] : memref<12500x8x64xf32, #tpu.memory_space<hbm>> -> memref<1x1x64xf32, #tpu.memory_space<hbm>>
    %dma_start3A_314 = tpu.memref_squeeze %dma_start3A_313 : memref<1x1x64xf32, #tpu.memory_space<hbm>> -> memref<1x64xf32, #tpu.memory_space<hbm>>
    tpu.enqueue_dma source(%dma_start3A_314 : memref<1x64xf32, #tpu.memory_space<hbm>>) target(%dma_start3A_311 : memref<1x64xf32, #tpu.memory_space<vmem>>) target_semaphore(%arg7 : memref<!tpu.dma_semaphore, #tpu.memory_space<semaphore_mem>>)
    %slice3A_315 = vector.extract_strided_slice %get3A_4 {offsets = [15], sizes = [1], strides = [1]} : vector<16xi32> to vector<1xi32>
    %squeeze3A_316 = vector.extract %slice3A_315[0] : i32 from vector<1xi32>
    %shift_right_arithmetic3A_317 = arith.constant 3 : i32
    %shift_right_arithmetic3A_318 = arith.shrsi %squeeze3A_316, %shift_right_arithmetic3A_317 : i32
    %and3A_319 = arith.constant 7 : i32
    %and3A_320 = arith.andi %squeeze3A_316, %and3A_319 : i32
    %dma_start3A_321 = arith.constant 1 : i32
    %dma_start3A_322 = arith.constant 7 : i32
    %dma_start3A_323 = arith.constant 0 : i32
    %dma_start3A_324 = tpu.memref_slice %arg6[%dma_start3A_321, %dma_start3A_322, %dma_start3A_323] : memref<64x8x64xf32, #tpu.memory_space<vmem>> -> memref<1x1x64xf32, #tpu.memory_space<vmem>>
    %dma_start3A_325 = tpu.memref_squeeze %dma_start3A_324 : memref<1x1x64xf32, #tpu.memory_space<vmem>> -> memref<1x64xf32, #tpu.memory_space<vmem>>
    %dma_start3A_326 = arith.constant 0 : i32
    %dma_start3A_327 = tpu.memref_slice %arg2[%shift_right_arithmetic3A_318, %and3A_320, %dma_start3A_326] : memref<12500x8x64xf32, #tpu.memory_space<hbm>> -> memref<1x1x64xf32, #tpu.memory_space<hbm>>
    %dma_start3A_328 = tpu.memref_squeeze %dma_start3A_327 : memref<1x1x64xf32, #tpu.memory_space<hbm>> -> memref<1x64xf32, #tpu.memory_space<hbm>>
    %dma_start3A_329 = arith.constant 7 : i32
    %dma_start3A_330 = arith.constant 0 : i32
    %dma_start3A_331 = tpu.memref_slice %arg6[%dma_start3A_321, %dma_start3A_329, %dma_start3A_330] : memref<64x8x64xf32, #tpu.memory_space<vmem>> -> memref<1x1x64xf32, #tpu.memory_space<vmem>>
    %dma_start3A_332 = tpu.memref_squeeze %dma_start3A_331 : memref<1x1x64xf32, #tpu.memory_space<vmem>> -> memref<1x64xf32, #tpu.memory_space<vmem>>
    %dma_start3A_333 = arith.constant 0 : i32
    %dma_start3A_334 = tpu.memref_slice %arg2[%shift_right_arithmetic3A_318, %and3A_320, %dma_start3A_333] : memref<12500x8x64xf32, #tpu.memory_space<hbm>> -> memref<1x1x64xf32, #tpu.memory_space<hbm>>
    %dma_start3A_335 = tpu.memref_squeeze %dma_start3A_334 : memref<1x1x64xf32, #tpu.memory_space<hbm>> -> memref<1x64xf32, #tpu.memory_space<hbm>>
    tpu.enqueue_dma source(%dma_start3A_335 : memref<1x64xf32, #tpu.memory_space<hbm>>) target(%dma_start3A_332 : memref<1x64xf32, #tpu.memory_space<vmem>>) target_semaphore(%arg7 : memref<!tpu.dma_semaphore, #tpu.memory_space<semaphore_mem>>)
    %scan3A = arith.constant 0 : i32
    %scan3A_336 = arith.constant 1 : i32
    %scan3A_337 = arith.constant 31 : i32
    %scan3A_338 = arith.addi %scan3A_336, %scan3A_337 : i32
    %scan3A_339 = arith.constant 1 : i32
    %scan3A_340 = scf.for %scan3A_379 = %scan3A_336 to %scan3A_338 step %scan3A_339 iter_args(%scan3A_380 = %scan3A) -> (i32)  : i32 {
      %mul3A_381 = arith.constant 16 : i32
      %mul3A_382 = arith.muli %scan3A_379, %mul3A_381 : i32
      %get3A_383 = arith.index_cast %mul3A_382 : i32 to index
      %get3A_384 = tpu.vector_load %arg5[%get3A_383] {strides = array<i32>} : memref<512xi32, #tpu.memory_space<vmem>>, vector<16xi32>,
      %get3A_385 = vector.shape_cast %get3A_384 : vector<16xi32> to vector<16xi32>
      %slice3A_386 = vector.extract_strided_slice %get3A_385 {offsets = [0], sizes = [1], strides = [1]} : vector<16xi32> to vector<1xi32>
      %squeeze3A_387 = vector.extract %slice3A_386[0] : i32 from vector<1xi32>
      %shift_right_arithmetic3A_388 = arith.constant 3 : i32
      %shift_right_arithmetic3A_389 = arith.shrsi %squeeze3A_387, %shift_right_arithmetic3A_388 : i32
      %and3A_390 = arith.constant 7 : i32
      %and3A_391 = arith.andi %squeeze3A_387, %and3A_390 : i32
      %mul3A_392 = arith.constant 2 : i32
      %mul3A_393 = arith.muli %mul3A_392, %scan3A_379 : i32
      %add3A_394 = arith.constant 0 : i32
      %add3A_395 = arith.addi %mul3A_393, %add3A_394 : i32
      %dma_start3A_396 = arith.constant 0 : i32
      %dma_start3A_397 = arith.constant 0 : i32
      %dma_start3A_398 = tpu.memref_slice %arg6[%add3A_395, %dma_start3A_396, %dma_start3A_397] : memref<64x8x64xf32, #tpu.memory_space<vmem>> -> memref<1x1x64xf32, #tpu.memory_space<vmem>>
      %dma_start3A_399 = tpu.memref_squeeze %dma_start3A_398 : memref<1x1x64xf32, #tpu.memory_space<vmem>> -> memref<1x64xf32, #tpu.memory_space<vmem>>
      %dma_start3A_400 = arith.constant 0 : i32
      %dma_start3A_401 = tpu.memref_slice %arg2[%shift_right_arithmetic3A_389, %and3A_391, %dma_start3A_400] : memref<12500x8x64xf32, #tpu.memory_space<hbm>> -> memref<1x1x64xf32, #tpu.memory_space<hbm>>
      %dma_start3A_402 = tpu.memref_squeeze %dma_start3A_401 : memref<1x1x64xf32, #tpu.memory_space<hbm>> -> memref<1x64xf32, #tpu.memory_space<hbm>>
      %dma_start3A_403 = arith.constant 0 : i32
      %dma_start3A_404 = arith.constant 0 : i32
      %dma_start3A_405 = tpu.memref_slice %arg6[%add3A_395, %dma_start3A_403, %dma_start3A_404] : memref<64x8x64xf32, #tpu.memory_space<vmem>> -> memref<1x1x64xf32, #tpu.memory_space<vmem>>
      %dma_start3A_406 = tpu.memref_squeeze %dma_start3A_405 : memref<1x1x64xf32, #tpu.memory_space<vmem>> -> memref<1x64xf32, #tpu.memory_space<vmem>>
      %dma_start3A_407 = arith.constant 0 : i32
      %dma_start3A_408 = tpu.memref_slice %arg2[%shift_right_arithmetic3A_389, %and3A_391, %dma_start3A_407] : memref<12500x8x64xf32, #tpu.memory_space<hbm>> -> memref<1x1x64xf32, #tpu.memory_space<hbm>>
      %dma_start3A_409 = tpu.memref_squeeze %dma_start3A_408 : memref<1x1x64xf32, #tpu.memory_space<hbm>> -> memref<1x64xf32, #tpu.memory_space<hbm>>
      tpu.enqueue_dma source(%dma_start3A_409 : memref<1x64xf32, #tpu.memory_space<hbm>>) target(%dma_start3A_406 : memref<1x64xf32, #tpu.memory_space<vmem>>) target_semaphore(%arg7 : memref<!tpu.dma_semaphore, #tpu.memory_space<semaphore_mem>>)
      %slice3A_410 = vector.extract_strided_slice %get3A_385 {offsets = [1], sizes = [1], strides = [1]} : vector<16xi32> to vector<1xi32>
      %squeeze3A_411 = vector.extract %slice3A_410[0] : i32 from vector<1xi32>
      %shift_right_arithmetic3A_412 = arith.constant 3 : i32
      %shift_right_arithmetic3A_413 = arith.shrsi %squeeze3A_411, %shift_right_arithmetic3A_412 : i32
      %and3A_414 = arith.constant 7 : i32
      %and3A_415 = arith.andi %squeeze3A_411, %and3A_414 : i32
      %mul3A_416 = arith.constant 2 : i32
      %mul3A_417 = arith.muli %mul3A_416, %scan3A_379 : i32
      %add3A_418 = arith.constant 0 : i32
      %add3A_419 = arith.addi %mul3A_417, %add3A_418 : i32
      %dma_start3A_420 = arith.constant 1 : i32
      %dma_start3A_421 = arith.constant 0 : i32
      %dma_start3A_422 = tpu.memref_slice %arg6[%add3A_419, %dma_start3A_420, %dma_start3A_421] : memref<64x8x64xf32, #tpu.memory_space<vmem>> -> memref<1x1x64xf32, #tpu.memory_space<vmem>>
      %dma_start3A_423 = tpu.memref_squeeze %dma_start3A_422 : memref<1x1x64xf32, #tpu.memory_space<vmem>> -> memref<1x64xf32, #tpu.memory_space<vmem>>
      %dma_start3A_424 = arith.constant 0 : i32
      %dma_start3A_425 = tpu.memref_slice %arg2[%shift_right_arithmetic3A_413, %and3A_415, %dma_start3A_424] : memref<12500x8x64xf32, #tpu.memory_space<hbm>> -> memref<1x1x64xf32, #tpu.memory_space<hbm>>
      %dma_start3A_426 = tpu.memref_squeeze %dma_start3A_425 : memref<1x1x64xf32, #tpu.memory_space<hbm>> -> memref<1x64xf32, #tpu.memory_space<hbm>>
      %dma_start3A_427 = arith.constant 1 : i32
      %dma_start3A_428 = arith.constant 0 : i32
      %dma_start3A_429 = tpu.memref_slice %arg6[%add3A_419, %dma_start3A_427, %dma_start3A_428] : memref<64x8x64xf32, #tpu.memory_space<vmem>> -> memref<1x1x64xf32, #tpu.memory_space<vmem>>
      %dma_start3A_430 = tpu.memref_squeeze %dma_start3A_429 : memref<1x1x64xf32, #tpu.memory_space<vmem>> -> memref<1x64xf32, #tpu.memory_space<vmem>>
      %dma_start3A_431 = arith.constant 0 : i32
      %dma_start3A_432 = tpu.memref_slice %arg2[%shift_right_arithmetic3A_413, %and3A_415, %dma_start3A_431] : memref<12500x8x64xf32, #tpu.memory_space<hbm>> -> memref<1x1x64xf32, #tpu.memory_space<hbm>>
      %dma_start3A_433 = tpu.memref_squeeze %dma_start3A_432 : memref<1x1x64xf32, #tpu.memory_space<hbm>> -> memref<1x64xf32, #tpu.memory_space<hbm>>
      tpu.enqueue_dma source(%dma_start3A_433 : memref<1x64xf32, #tpu.memory_space<hbm>>) target(%dma_start3A_430 : memref<1x64xf32, #tpu.memory_space<vmem>>) target_semaphore(%arg7 : memref<!tpu.dma_semaphore, #tpu.memory_space<semaphore_mem>>)
      %slice3A_434 = vector.extract_strided_slice %get3A_385 {offsets = [2], sizes = [1], strides = [1]} : vector<16xi32> to vector<1xi32>
      %squeeze3A_435 = vector.extract %slice3A_434[0] : i32 from vector<1xi32>
      %shift_right_arithmetic3A_436 = arith.constant 3 : i32
      %shift_right_arithmetic3A_437 = arith.shrsi %squeeze3A_435, %shift_right_arithmetic3A_436 : i32
      %and3A_438 = arith.constant 7 : i32
      %and3A_439 = arith.andi %squeeze3A_435, %and3A_438 : i32
      %mul3A_440 = arith.constant 2 : i32
      %mul3A_441 = arith.muli %mul3A_440, %scan3A_379 : i32
      %add3A_442 = arith.constant 0 : i32
      %add3A_443 = arith.addi %mul3A_441, %add3A_442 : i32
      %dma_start3A_444 = arith.constant 2 : i32
      %dma_start3A_445 = arith.constant 0 : i32
      %dma_start3A_446 = tpu.memref_slice %arg6[%add3A_443, %dma_start3A_444, %dma_start3A_445] : memref<64x8x64xf32, #tpu.memory_space<vmem>> -> memref<1x1x64xf32, #tpu.memory_space<vmem>>
      %dma_start3A_447 = tpu.memref_squeeze %dma_start3A_446 : memref<1x1x64xf32, #tpu.memory_space<vmem>> -> memref<1x64xf32, #tpu.memory_space<vmem>>
      %dma_start3A_448 = arith.constant 0 : i32
      %dma_start3A_449 = tpu.memref_slice %arg2[%shift_right_arithmetic3A_437, %and3A_439, %dma_start3A_448] : memref<12500x8x64xf32, #tpu.memory_space<hbm>> -> memref<1x1x64xf32, #tpu.memory_space<hbm>>
      %dma_start3A_450 = tpu.memref_squeeze %dma_start3A_449 : memref<1x1x64xf32, #tpu.memory_space<hbm>> -> memref<1x64xf32, #tpu.memory_space<hbm>>
      %dma_start3A_451 = arith.constant 2 : i32
      %dma_start3A_452 = arith.constant 0 : i32
      %dma_start3A_453 = tpu.memref_slice %arg6[%add3A_443, %dma_start3A_451, %dma_start3A_452] : memref<64x8x64xf32, #tpu.memory_space<vmem>> -> memref<1x1x64xf32, #tpu.memory_space<vmem>>
      %dma_start3A_454 = tpu.memref_squeeze %dma_start3A_453 : memref<1x1x64xf32, #tpu.memory_space<vmem>> -> memref<1x64xf32, #tpu.memory_space<vmem>>
      %dma_start3A_455 = arith.constant 0 : i32
      %dma_start3A_456 = tpu.memref_slice %arg2[%shift_right_arithmetic3A_437, %and3A_439, %dma_start3A_455] : memref<12500x8x64xf32, #tpu.memory_space<hbm>> -> memref<1x1x64xf32, #tpu.memory_space<hbm>>
      %dma_start3A_457 = tpu.memref_squeeze %dma_start3A_456 : memref<1x1x64xf32, #tpu.memory_space<hbm>> -> memref<1x64xf32, #tpu.memory_space<hbm>>
      tpu.enqueue_dma source(%dma_start3A_457 : memref<1x64xf32, #tpu.memory_space<hbm>>) target(%dma_start3A_454 : memref<1x64xf32, #tpu.memory_space<vmem>>) target_semaphore(%arg7 : memref<!tpu.dma_semaphore, #tpu.memory_space<semaphore_mem>>)
      %slice3A_458 = vector.extract_strided_slice %get3A_385 {offsets = [3], sizes = [1], strides = [1]} : vector<16xi32> to vector<1xi32>
      %squeeze3A_459 = vector.extract %slice3A_458[0] : i32 from vector<1xi32>
      %shift_right_arithmetic3A_460 = arith.constant 3 : i32
      %shift_right_arithmetic3A_461 = arith.shrsi %squeeze3A_459, %shift_right_arithmetic3A_460 : i32
      %and3A_462 = arith.constant 7 : i32
      %and3A_463 = arith.andi %squeeze3A_459, %and3A_462 : i32
      %mul3A_464 = arith.constant 2 : i32
      %mul3A_465 = arith.muli %mul3A_464, %scan3A_379 : i32
      %add3A_466 = arith.constant 0 : i32
      %add3A_467 = arith.addi %mul3A_465, %add3A_466 : i32
      %dma_start3A_468 = arith.constant 3 : i32
      %dma_start3A_469 = arith.constant 0 : i32
      %dma_start3A_470 = tpu.memref_slice %arg6[%add3A_467, %dma_start3A_468, %dma_start3A_469] : memref<64x8x64xf32, #tpu.memory_space<vmem>> -> memref<1x1x64xf32, #tpu.memory_space<vmem>>
      %dma_start3A_471 = tpu.memref_squeeze %dma_start3A_470 : memref<1x1x64xf32, #tpu.memory_space<vmem>> -> memref<1x64xf32, #tpu.memory_space<vmem>>
      %dma_start3A_472 = arith.constant 0 : i32
      %dma_start3A_473 = tpu.memref_slice %arg2[%shift_right_arithmetic3A_461, %and3A_463, %dma_start3A_472] : memref<12500x8x64xf32, #tpu.memory_space<hbm>> -> memref<1x1x64xf32, #tpu.memory_space<hbm>>
      %dma_start3A_474 = tpu.memref_squeeze %dma_start3A_473 : memref<1x1x64xf32, #tpu.memory_space<hbm>> -> memref<1x64xf32, #tpu.memory_space<hbm>>
      %dma_start3A_475 = arith.constant 3 : i32
      %dma_start3A_476 = arith.constant 0 : i32
      %dma_start3A_477 = tpu.memref_slice %arg6[%add3A_467, %dma_start3A_475, %dma_start3A_476] : memref<64x8x64xf32, #tpu.memory_space<vmem>> -> memref<1x1x64xf32, #tpu.memory_space<vmem>>
      %dma_start3A_478 = tpu.memref_squeeze %dma_start3A_477 : memref<1x1x64xf32, #tpu.memory_space<vmem>> -> memref<1x64xf32, #tpu.memory_space<vmem>>
      %dma_start3A_479 = arith.constant 0 : i32
      %dma_start3A_480 = tpu.memref_slice %arg2[%shift_right_arithmetic3A_461, %and3A_463, %dma_start3A_479] : memref<12500x8x64xf32, #tpu.memory_space<hbm>> -> memref<1x1x64xf32, #tpu.memory_space<hbm>>
      %dma_start3A_481 = tpu.memref_squeeze %dma_start3A_480 : memref<1x1x64xf32, #tpu.memory_space<hbm>> -> memref<1x64xf32, #tpu.memory_space<hbm>>
      tpu.enqueue_dma source(%dma_start3A_481 : memref<1x64xf32, #tpu.memory_space<hbm>>) target(%dma_start3A_478 : memref<1x64xf32, #tpu.memory_space<vmem>>) target_semaphore(%arg7 : memref<!tpu.dma_semaphore, #tpu.memory_space<semaphore_mem>>)
      %slice3A_482 = vector.extract_strided_slice %get3A_385 {offsets = [4], sizes = [1], strides = [1]} : vector<16xi32> to vector<1xi32>
      %squeeze3A_483 = vector.extract %slice3A_482[0] : i32 from vector<1xi32>
      %shift_right_arithmetic3A_484 = arith.constant 3 : i32
      %shift_right_arithmetic3A_485 = arith.shrsi %squeeze3A_483, %shift_right_arithmetic3A_484 : i32
      %and3A_486 = arith.constant 7 : i32
      %and3A_487 = arith.andi %squeeze3A_483, %and3A_486 : i32
      %mul3A_488 = arith.constant 2 : i32
      %mul3A_489 = arith.muli %mul3A_488, %scan3A_379 : i32
      %add3A_490 = arith.constant 0 : i32
      %add3A_491 = arith.addi %mul3A_489, %add3A_490 : i32
      %dma_start3A_492 = arith.constant 4 : i32
      %dma_start3A_493 = arith.constant 0 : i32
      %dma_start3A_494 = tpu.memref_slice %arg6[%add3A_491, %dma_start3A_492, %dma_start3A_493] : memref<64x8x64xf32, #tpu.memory_space<vmem>> -> memref<1x1x64xf32, #tpu.memory_space<vmem>>
      %dma_start3A_495 = tpu.memref_squeeze %dma_start3A_494 : memref<1x1x64xf32, #tpu.memory_space<vmem>> -> memref<1x64xf32, #tpu.memory_space<vmem>>
      %dma_start3A_496 = arith.constant 0 : i32
      %dma_start3A_497 = tpu.memref_slice %arg2[%shift_right_arithmetic3A_485, %and3A_487, %dma_start3A_496] : memref<12500x8x64xf32, #tpu.memory_space<hbm>> -> memref<1x1x64xf32, #tpu.memory_space<hbm>>
      %dma_start3A_498 = tpu.memref_squeeze %dma_start3A_497 : memref<1x1x64xf32, #tpu.memory_space<hbm>> -> memref<1x64xf32, #tpu.memory_space<hbm>>
      %dma_start3A_499 = arith.constant 4 : i32
      %dma_start3A_500 = arith.constant 0 : i32
      %dma_start3A_501 = tpu.memref_slice %arg6[%add3A_491, %dma_start3A_499, %dma_start3A_500] : memref<64x8x64xf32, #tpu.memory_space<vmem>> -> memref<1x1x64xf32, #tpu.memory_space<vmem>>
      %dma_start3A_502 = tpu.memref_squeeze %dma_start3A_501 : memref<1x1x64xf32, #tpu.memory_space<vmem>> -> memref<1x64xf32, #tpu.memory_space<vmem>>
      %dma_start3A_503 = arith.constant 0 : i32
      %dma_start3A_504 = tpu.memref_slice %arg2[%shift_right_arithmetic3A_485, %and3A_487, %dma_start3A_503] : memref<12500x8x64xf32, #tpu.memory_space<hbm>> -> memref<1x1x64xf32, #tpu.memory_space<hbm>>
      %dma_start3A_505 = tpu.memref_squeeze %dma_start3A_504 : memref<1x1x64xf32, #tpu.memory_space<hbm>> -> memref<1x64xf32, #tpu.memory_space<hbm>>
      tpu.enqueue_dma source(%dma_start3A_505 : memref<1x64xf32, #tpu.memory_space<hbm>>) target(%dma_start3A_502 : memref<1x64xf32, #tpu.memory_space<vmem>>) target_semaphore(%arg7 : memref<!tpu.dma_semaphore, #tpu.memory_space<semaphore_mem>>)
      %slice3A_506 = vector.extract_strided_slice %get3A_385 {offsets = [5], sizes = [1], strides = [1]} : vector<16xi32> to vector<1xi32>
      %squeeze3A_507 = vector.extract %slice3A_506[0] : i32 from vector<1xi32>
      %shift_right_arithmetic3A_508 = arith.constant 3 : i32
      %shift_right_arithmetic3A_509 = arith.shrsi %squeeze3A_507, %shift_right_arithmetic3A_508 : i32
      %and3A_510 = arith.constant 7 : i32
      %and3A_511 = arith.andi %squeeze3A_507, %and3A_510 : i32
      %mul3A_512 = arith.constant 2 : i32
      %mul3A_513 = arith.muli %mul3A_512, %scan3A_379 : i32
      %add3A_514 = arith.constant 0 : i32
      %add3A_515 = arith.addi %mul3A_513, %add3A_514 : i32
      %dma_start3A_516 = arith.constant 5 : i32
      %dma_start3A_517 = arith.constant 0 : i32
      %dma_start3A_518 = tpu.memref_slice %arg6[%add3A_515, %dma_start3A_516, %dma_start3A_517] : memref<64x8x64xf32, #tpu.memory_space<vmem>> -> memref<1x1x64xf32, #tpu.memory_space<vmem>>
      %dma_start3A_519 = tpu.memref_squeeze %dma_start3A_518 : memref<1x1x64xf32, #tpu.memory_space<vmem>> -> memref<1x64xf32, #tpu.memory_space<vmem>>
      %dma_start3A_520 = arith.constant 0 : i32
      %dma_start3A_521 = tpu.memref_slice %arg2[%shift_right_arithmetic3A_509, %and3A_511, %dma_start3A_520] : memref<12500x8x64xf32, #tpu.memory_space<hbm>> -> memref<1x1x64xf32, #tpu.memory_space<hbm>>
      %dma_start3A_522 = tpu.memref_squeeze %dma_start3A_521 : memref<1x1x64xf32, #tpu.memory_space<hbm>> -> memref<1x64xf32, #tpu.memory_space<hbm>>
      %dma_start3A_523 = arith.constant 5 : i32
      %dma_start3A_524 = arith.constant 0 : i32
      %dma_start3A_525 = tpu.memref_slice %arg6[%add3A_515, %dma_start3A_523, %dma_start3A_524] : memref<64x8x64xf32, #tpu.memory_space<vmem>> -> memref<1x1x64xf32, #tpu.memory_space<vmem>>
      %dma_start3A_526 = tpu.memref_squeeze %dma_start3A_525 : memref<1x1x64xf32, #tpu.memory_space<vmem>> -> memref<1x64xf32, #tpu.memory_space<vmem>>
      %dma_start3A_527 = arith.constant 0 : i32
      %dma_start3A_528 = tpu.memref_slice %arg2[%shift_right_arithmetic3A_509, %and3A_511, %dma_start3A_527] : memref<12500x8x64xf32, #tpu.memory_space<hbm>> -> memref<1x1x64xf32, #tpu.memory_space<hbm>>
      %dma_start3A_529 = tpu.memref_squeeze %dma_start3A_528 : memref<1x1x64xf32, #tpu.memory_space<hbm>> -> memref<1x64xf32, #tpu.memory_space<hbm>>
      tpu.enqueue_dma source(%dma_start3A_529 : memref<1x64xf32, #tpu.memory_space<hbm>>) target(%dma_start3A_526 : memref<1x64xf32, #tpu.memory_space<vmem>>) target_semaphore(%arg7 : memref<!tpu.dma_semaphore, #tpu.memory_space<semaphore_mem>>)
      %slice3A_530 = vector.extract_strided_slice %get3A_385 {offsets = [6], sizes = [1], strides = [1]} : vector<16xi32> to vector<1xi32>
      %squeeze3A_531 = vector.extract %slice3A_530[0] : i32 from vector<1xi32>
      %shift_right_arithmetic3A_532 = arith.constant 3 : i32
      %shift_right_arithmetic3A_533 = arith.shrsi %squeeze3A_531, %shift_right_arithmetic3A_532 : i32
      %and3A_534 = arith.constant 7 : i32
      %and3A_535 = arith.andi %squeeze3A_531, %and3A_534 : i32
      %mul3A_536 = arith.constant 2 : i32
      %mul3A_537 = arith.muli %mul3A_536, %scan3A_379 : i32
      %add3A_538 = arith.constant 0 : i32
      %add3A_539 = arith.addi %mul3A_537, %add3A_538 : i32
      %dma_start3A_540 = arith.constant 6 : i32
      %dma_start3A_541 = arith.constant 0 : i32
      %dma_start3A_542 = tpu.memref_slice %arg6[%add3A_539, %dma_start3A_540, %dma_start3A_541] : memref<64x8x64xf32, #tpu.memory_space<vmem>> -> memref<1x1x64xf32, #tpu.memory_space<vmem>>
      %dma_start3A_543 = tpu.memref_squeeze %dma_start3A_542 : memref<1x1x64xf32, #tpu.memory_space<vmem>> -> memref<1x64xf32, #tpu.memory_space<vmem>>
      %dma_start3A_544 = arith.constant 0 : i32
      %dma_start3A_545 = tpu.memref_slice %arg2[%shift_right_arithmetic3A_533, %and3A_535, %dma_start3A_544] : memref<12500x8x64xf32, #tpu.memory_space<hbm>> -> memref<1x1x64xf32, #tpu.memory_space<hbm>>
      %dma_start3A_546 = tpu.memref_squeeze %dma_start3A_545 : memref<1x1x64xf32, #tpu.memory_space<hbm>> -> memref<1x64xf32, #tpu.memory_space<hbm>>
      %dma_start3A_547 = arith.constant 6 : i32
      %dma_start3A_548 = arith.constant 0 : i32
      %dma_start3A_549 = tpu.memref_slice %arg6[%add3A_539, %dma_start3A_547, %dma_start3A_548] : memref<64x8x64xf32, #tpu.memory_space<vmem>> -> memref<1x1x64xf32, #tpu.memory_space<vmem>>
      %dma_start3A_550 = tpu.memref_squeeze %dma_start3A_549 : memref<1x1x64xf32, #tpu.memory_space<vmem>> -> memref<1x64xf32, #tpu.memory_space<vmem>>
      %dma_start3A_551 = arith.constant 0 : i32
      %dma_start3A_552 = tpu.memref_slice %arg2[%shift_right_arithmetic3A_533, %and3A_535, %dma_start3A_551] : memref<12500x8x64xf32, #tpu.memory_space<hbm>> -> memref<1x1x64xf32, #tpu.memory_space<hbm>>
      %dma_start3A_553 = tpu.memref_squeeze %dma_start3A_552 : memref<1x1x64xf32, #tpu.memory_space<hbm>> -> memref<1x64xf32, #tpu.memory_space<hbm>>
      tpu.enqueue_dma source(%dma_start3A_553 : memref<1x64xf32, #tpu.memory_space<hbm>>) target(%dma_start3A_550 : memref<1x64xf32, #tpu.memory_space<vmem>>) target_semaphore(%arg7 : memref<!tpu.dma_semaphore, #tpu.memory_space<semaphore_mem>>)
      %slice3A_554 = vector.extract_strided_slice %get3A_385 {offsets = [7], sizes = [1], strides = [1]} : vector<16xi32> to vector<1xi32>
      %squeeze3A_555 = vector.extract %slice3A_554[0] : i32 from vector<1xi32>
      %shift_right_arithmetic3A_556 = arith.constant 3 : i32
      %shift_right_arithmetic3A_557 = arith.shrsi %squeeze3A_555, %shift_right_arithmetic3A_556 : i32
      %and3A_558 = arith.constant 7 : i32
      %and3A_559 = arith.andi %squeeze3A_555, %and3A_558 : i32
      %mul3A_560 = arith.constant 2 : i32
      %mul3A_561 = arith.muli %mul3A_560, %scan3A_379 : i32
      %add3A_562 = arith.constant 0 : i32
      %add3A_563 = arith.addi %mul3A_561, %add3A_562 : i32
      %dma_start3A_564 = arith.constant 7 : i32
      %dma_start3A_565 = arith.constant 0 : i32
      %dma_start3A_566 = tpu.memref_slice %arg6[%add3A_563, %dma_start3A_564, %dma_start3A_565] : memref<64x8x64xf32, #tpu.memory_space<vmem>> -> memref<1x1x64xf32, #tpu.memory_space<vmem>>
      %dma_start3A_567 = tpu.memref_squeeze %dma_start3A_566 : memref<1x1x64xf32, #tpu.memory_space<vmem>> -> memref<1x64xf32, #tpu.memory_space<vmem>>
      %dma_start3A_568 = arith.constant 0 : i32
      %dma_start3A_569 = tpu.memref_slice %arg2[%shift_right_arithmetic3A_557, %and3A_559, %dma_start3A_568] : memref<12500x8x64xf32, #tpu.memory_space<hbm>> -> memref<1x1x64xf32, #tpu.memory_space<hbm>>
      %dma_start3A_570 = tpu.memref_squeeze %dma_start3A_569 : memref<1x1x64xf32, #tpu.memory_space<hbm>> -> memref<1x64xf32, #tpu.memory_space<hbm>>
      %dma_start3A_571 = arith.constant 7 : i32
      %dma_start3A_572 = arith.constant 0 : i32
      %dma_start3A_573 = tpu.memref_slice %arg6[%add3A_563, %dma_start3A_571, %dma_start3A_572] : memref<64x8x64xf32, #tpu.memory_space<vmem>> -> memref<1x1x64xf32, #tpu.memory_space<vmem>>
      %dma_start3A_574 = tpu.memref_squeeze %dma_start3A_573 : memref<1x1x64xf32, #tpu.memory_space<vmem>> -> memref<1x64xf32, #tpu.memory_space<vmem>>
      %dma_start3A_575 = arith.constant 0 : i32
      %dma_start3A_576 = tpu.memref_slice %arg2[%shift_right_arithmetic3A_557, %and3A_559, %dma_start3A_575] : memref<12500x8x64xf32, #tpu.memory_space<hbm>> -> memref<1x1x64xf32, #tpu.memory_space<hbm>>
      %dma_start3A_577 = tpu.memref_squeeze %dma_start3A_576 : memref<1x1x64xf32, #tpu.memory_space<hbm>> -> memref<1x64xf32, #tpu.memory_space<hbm>>
      tpu.enqueue_dma source(%dma_start3A_577 : memref<1x64xf32, #tpu.memory_space<hbm>>) target(%dma_start3A_574 : memref<1x64xf32, #tpu.memory_space<vmem>>) target_semaphore(%arg7 : memref<!tpu.dma_semaphore, #tpu.memory_space<semaphore_mem>>)
      %slice3A_578 = vector.extract_strided_slice %get3A_385 {offsets = [8], sizes = [1], strides = [1]} : vector<16xi32> to vector<1xi32>
      %squeeze3A_579 = vector.extract %slice3A_578[0] : i32 from vector<1xi32>
      %shift_right_arithmetic3A_580 = arith.constant 3 : i32
      %shift_right_arithmetic3A_581 = arith.shrsi %squeeze3A_579, %shift_right_arithmetic3A_580 : i32
      %and3A_582 = arith.constant 7 : i32
      %and3A_583 = arith.andi %squeeze3A_579, %and3A_582 : i32
      %mul3A_584 = arith.constant 2 : i32
      %mul3A_585 = arith.muli %mul3A_584, %scan3A_379 : i32
      %add3A_586 = arith.constant 1 : i32
      %add3A_587 = arith.addi %mul3A_585, %add3A_586 : i32
      %dma_start3A_588 = arith.constant 0 : i32
      %dma_start3A_589 = arith.constant 0 : i32
      %dma_start3A_590 = tpu.memref_slice %arg6[%add3A_587, %dma_start3A_588, %dma_start3A_589] : memref<64x8x64xf32, #tpu.memory_space<vmem>> -> memref<1x1x64xf32, #tpu.memory_space<vmem>>
      %dma_start3A_591 = tpu.memref_squeeze %dma_start3A_590 : memref<1x1x64xf32, #tpu.memory_space<vmem>> -> memref<1x64xf32, #tpu.memory_space<vmem>>
      %dma_start3A_592 = arith.constant 0 : i32
      %dma_start3A_593 = tpu.memref_slice %arg2[%shift_right_arithmetic3A_581, %and3A_583, %dma_start3A_592] : memref<12500x8x64xf32, #tpu.memory_space<hbm>> -> memref<1x1x64xf32, #tpu.memory_space<hbm>>
      %dma_start3A_594 = tpu.memref_squeeze %dma_start3A_593 : memref<1x1x64xf32, #tpu.memory_space<hbm>> -> memref<1x64xf32, #tpu.memory_space<hbm>>
      %dma_start3A_595 = arith.constant 0 : i32
      %dma_start3A_596 = arith.constant 0 : i32
      %dma_start3A_597 = tpu.memref_slice %arg6[%add3A_587, %dma_start3A_595, %dma_start3A_596] : memref<64x8x64xf32, #tpu.memory_space<vmem>> -> memref<1x1x64xf32, #tpu.memory_space<vmem>>
      %dma_start3A_598 = tpu.memref_squeeze %dma_start3A_597 : memref<1x1x64xf32, #tpu.memory_space<vmem>> -> memref<1x64xf32, #tpu.memory_space<vmem>>
      %dma_start3A_599 = arith.constant 0 : i32
      %dma_start3A_600 = tpu.memref_slice %arg2[%shift_right_arithmetic3A_581, %and3A_583, %dma_start3A_599] : memref<12500x8x64xf32, #tpu.memory_space<hbm>> -> memref<1x1x64xf32, #tpu.memory_space<hbm>>
      %dma_start3A_601 = tpu.memref_squeeze %dma_start3A_600 : memref<1x1x64xf32, #tpu.memory_space<hbm>> -> memref<1x64xf32, #tpu.memory_space<hbm>>
      tpu.enqueue_dma source(%dma_start3A_601 : memref<1x64xf32, #tpu.memory_space<hbm>>) target(%dma_start3A_598 : memref<1x64xf32, #tpu.memory_space<vmem>>) target_semaphore(%arg7 : memref<!tpu.dma_semaphore, #tpu.memory_space<semaphore_mem>>)
      %slice3A_602 = vector.extract_strided_slice %get3A_385 {offsets = [9], sizes = [1], strides = [1]} : vector<16xi32> to vector<1xi32>
      %squeeze3A_603 = vector.extract %slice3A_602[0] : i32 from vector<1xi32>
      %shift_right_arithmetic3A_604 = arith.constant 3 : i32
      %shift_right_arithmetic3A_605 = arith.shrsi %squeeze3A_603, %shift_right_arithmetic3A_604 : i32
      %and3A_606 = arith.constant 7 : i32
      %and3A_607 = arith.andi %squeeze3A_603, %and3A_606 : i32
      %mul3A_608 = arith.constant 2 : i32
      %mul3A_609 = arith.muli %mul3A_608, %scan3A_379 : i32
      %add3A_610 = arith.constant 1 : i32
      %add3A_611 = arith.addi %mul3A_609, %add3A_610 : i32
      %dma_start3A_612 = arith.constant 1 : i32
      %dma_start3A_613 = arith.constant 0 : i32
      %dma_start3A_614 = tpu.memref_slice %arg6[%add3A_611, %dma_start3A_612, %dma_start3A_613] : memref<64x8x64xf32, #tpu.memory_space<vmem>> -> memref<1x1x64xf32, #tpu.memory_space<vmem>>
      %dma_start3A_615 = tpu.memref_squeeze %dma_start3A_614 : memref<1x1x64xf32, #tpu.memory_space<vmem>> -> memref<1x64xf32, #tpu.memory_space<vmem>>
      %dma_start3A_616 = arith.constant 0 : i32
      %dma_start3A_617 = tpu.memref_slice %arg2[%shift_right_arithmetic3A_605, %and3A_607, %dma_start3A_616] : memref<12500x8x64xf32, #tpu.memory_space<hbm>> -> memref<1x1x64xf32, #tpu.memory_space<hbm>>
      %dma_start3A_618 = tpu.memref_squeeze %dma_start3A_617 : memref<1x1x64xf32, #tpu.memory_space<hbm>> -> memref<1x64xf32, #tpu.memory_space<hbm>>
      %dma_start3A_619 = arith.constant 1 : i32
      %dma_start3A_620 = arith.constant 0 : i32
      %dma_start3A_621 = tpu.memref_slice %arg6[%add3A_611, %dma_start3A_619, %dma_start3A_620] : memref<64x8x64xf32, #tpu.memory_space<vmem>> -> memref<1x1x64xf32, #tpu.memory_space<vmem>>
      %dma_start3A_622 = tpu.memref_squeeze %dma_start3A_621 : memref<1x1x64xf32, #tpu.memory_space<vmem>> -> memref<1x64xf32, #tpu.memory_space<vmem>>
      %dma_start3A_623 = arith.constant 0 : i32
      %dma_start3A_624 = tpu.memref_slice %arg2[%shift_right_arithmetic3A_605, %and3A_607, %dma_start3A_623] : memref<12500x8x64xf32, #tpu.memory_space<hbm>> -> memref<1x1x64xf32, #tpu.memory_space<hbm>>
      %dma_start3A_625 = tpu.memref_squeeze %dma_start3A_624 : memref<1x1x64xf32, #tpu.memory_space<hbm>> -> memref<1x64xf32, #tpu.memory_space<hbm>>
      tpu.enqueue_dma source(%dma_start3A_625 : memref<1x64xf32, #tpu.memory_space<hbm>>) target(%dma_start3A_622 : memref<1x64xf32, #tpu.memory_space<vmem>>) target_semaphore(%arg7 : memref<!tpu.dma_semaphore, #tpu.memory_space<semaphore_mem>>)
      %slice3A_626 = vector.extract_strided_slice %get3A_385 {offsets = [10], sizes = [1], strides = [1]} : vector<16xi32> to vector<1xi32>
      %squeeze3A_627 = vector.extract %slice3A_626[0] : i32 from vector<1xi32>
      %shift_right_arithmetic3A_628 = arith.constant 3 : i32
      %shift_right_arithmetic3A_629 = arith.shrsi %squeeze3A_627, %shift_right_arithmetic3A_628 : i32
      %and3A_630 = arith.constant 7 : i32
      %and3A_631 = arith.andi %squeeze3A_627, %and3A_630 : i32
      %mul3A_632 = arith.constant 2 : i32
      %mul3A_633 = arith.muli %mul3A_632, %scan3A_379 : i32
      %add3A_634 = arith.constant 1 : i32
      %add3A_635 = arith.addi %mul3A_633, %add3A_634 : i32
      %dma_start3A_636 = arith.constant 2 : i32
      %dma_start3A_637 = arith.constant 0 : i32
      %dma_start3A_638 = tpu.memref_slice %arg6[%add3A_635, %dma_start3A_636, %dma_start3A_637] : memref<64x8x64xf32, #tpu.memory_space<vmem>> -> memref<1x1x64xf32, #tpu.memory_space<vmem>>
      %dma_start3A_639 = tpu.memref_squeeze %dma_start3A_638 : memref<1x1x64xf32, #tpu.memory_space<vmem>> -> memref<1x64xf32, #tpu.memory_space<vmem>>
      %dma_start3A_640 = arith.constant 0 : i32
      %dma_start3A_641 = tpu.memref_slice %arg2[%shift_right_arithmetic3A_629, %and3A_631, %dma_start3A_640] : memref<12500x8x64xf32, #tpu.memory_space<hbm>> -> memref<1x1x64xf32, #tpu.memory_space<hbm>>
      %dma_start3A_642 = tpu.memref_squeeze %dma_start3A_641 : memref<1x1x64xf32, #tpu.memory_space<hbm>> -> memref<1x64xf32, #tpu.memory_space<hbm>>
      %dma_start3A_643 = arith.constant 2 : i32
      %dma_start3A_644 = arith.constant 0 : i32
      %dma_start3A_645 = tpu.memref_slice %arg6[%add3A_635, %dma_start3A_643, %dma_start3A_644] : memref<64x8x64xf32, #tpu.memory_space<vmem>> -> memref<1x1x64xf32, #tpu.memory_space<vmem>>
      %dma_start3A_646 = tpu.memref_squeeze %dma_start3A_645 : memref<1x1x64xf32, #tpu.memory_space<vmem>> -> memref<1x64xf32, #tpu.memory_space<vmem>>
      %dma_start3A_647 = arith.constant 0 : i32
      %dma_start3A_648 = tpu.memref_slice %arg2[%shift_right_arithmetic3A_629, %and3A_631, %dma_start3A_647] : memref<12500x8x64xf32, #tpu.memory_space<hbm>> -> memref<1x1x64xf32, #tpu.memory_space<hbm>>
      %dma_start3A_649 = tpu.memref_squeeze %dma_start3A_648 : memref<1x1x64xf32, #tpu.memory_space<hbm>> -> memref<1x64xf32, #tpu.memory_space<hbm>>
      tpu.enqueue_dma source(%dma_start3A_649 : memref<1x64xf32, #tpu.memory_space<hbm>>) target(%dma_start3A_646 : memref<1x64xf32, #tpu.memory_space<vmem>>) target_semaphore(%arg7 : memref<!tpu.dma_semaphore, #tpu.memory_space<semaphore_mem>>)
      %slice3A_650 = vector.extract_strided_slice %get3A_385 {offsets = [11], sizes = [1], strides = [1]} : vector<16xi32> to vector<1xi32>
      %squeeze3A_651 = vector.extract %slice3A_650[0] : i32 from vector<1xi32>
      %shift_right_arithmetic3A_652 = arith.constant 3 : i32
      %shift_right_arithmetic3A_653 = arith.shrsi %squeeze3A_651, %shift_right_arithmetic3A_652 : i32
      %and3A_654 = arith.constant 7 : i32
      %and3A_655 = arith.andi %squeeze3A_651, %and3A_654 : i32
      %mul3A_656 = arith.constant 2 : i32
      %mul3A_657 = arith.muli %mul3A_656, %scan3A_379 : i32
      %add3A_658 = arith.constant 1 : i32
      %add3A_659 = arith.addi %mul3A_657, %add3A_658 : i32
      %dma_start3A_660 = arith.constant 3 : i32
      %dma_start3A_661 = arith.constant 0 : i32
      %dma_start3A_662 = tpu.memref_slice %arg6[%add3A_659, %dma_start3A_660, %dma_start3A_661] : memref<64x8x64xf32, #tpu.memory_space<vmem>> -> memref<1x1x64xf32, #tpu.memory_space<vmem>>
      %dma_start3A_663 = tpu.memref_squeeze %dma_start3A_662 : memref<1x1x64xf32, #tpu.memory_space<vmem>> -> memref<1x64xf32, #tpu.memory_space<vmem>>
      %dma_start3A_664 = arith.constant 0 : i32
      %dma_start3A_665 = tpu.memref_slice %arg2[%shift_right_arithmetic3A_653, %and3A_655, %dma_start3A_664] : memref<12500x8x64xf32, #tpu.memory_space<hbm>> -> memref<1x1x64xf32, #tpu.memory_space<hbm>>
      %dma_start3A_666 = tpu.memref_squeeze %dma_start3A_665 : memref<1x1x64xf32, #tpu.memory_space<hbm>> -> memref<1x64xf32, #tpu.memory_space<hbm>>
      %dma_start3A_667 = arith.constant 3 : i32
      %dma_start3A_668 = arith.constant 0 : i32
      %dma_start3A_669 = tpu.memref_slice %arg6[%add3A_659, %dma_start3A_667, %dma_start3A_668] : memref<64x8x64xf32, #tpu.memory_space<vmem>> -> memref<1x1x64xf32, #tpu.memory_space<vmem>>
      %dma_start3A_670 = tpu.memref_squeeze %dma_start3A_669 : memref<1x1x64xf32, #tpu.memory_space<vmem>> -> memref<1x64xf32, #tpu.memory_space<vmem>>
      %dma_start3A_671 = arith.constant 0 : i32
      %dma_start3A_672 = tpu.memref_slice %arg2[%shift_right_arithmetic3A_653, %and3A_655, %dma_start3A_671] : memref<12500x8x64xf32, #tpu.memory_space<hbm>> -> memref<1x1x64xf32, #tpu.memory_space<hbm>>
      %dma_start3A_673 = tpu.memref_squeeze %dma_start3A_672 : memref<1x1x64xf32, #tpu.memory_space<hbm>> -> memref<1x64xf32, #tpu.memory_space<hbm>>
      tpu.enqueue_dma source(%dma_start3A_673 : memref<1x64xf32, #tpu.memory_space<hbm>>) target(%dma_start3A_670 : memref<1x64xf32, #tpu.memory_space<vmem>>) target_semaphore(%arg7 : memref<!tpu.dma_semaphore, #tpu.memory_space<semaphore_mem>>)
      %slice3A_674 = vector.extract_strided_slice %get3A_385 {offsets = [12], sizes = [1], strides = [1]} : vector<16xi32> to vector<1xi32>
      %squeeze3A_675 = vector.extract %slice3A_674[0] : i32 from vector<1xi32>
      %shift_right_arithmetic3A_676 = arith.constant 3 : i32
      %shift_right_arithmetic3A_677 = arith.shrsi %squeeze3A_675, %shift_right_arithmetic3A_676 : i32
      %and3A_678 = arith.constant 7 : i32
      %and3A_679 = arith.andi %squeeze3A_675, %and3A_678 : i32
      %mul3A_680 = arith.constant 2 : i32
      %mul3A_681 = arith.muli %mul3A_680, %scan3A_379 : i32
      %add3A_682 = arith.constant 1 : i32
      %add3A_683 = arith.addi %mul3A_681, %add3A_682 : i32
      %dma_start3A_684 = arith.constant 4 : i32
      %dma_start3A_685 = arith.constant 0 : i32
      %dma_start3A_686 = tpu.memref_slice %arg6[%add3A_683, %dma_start3A_684, %dma_start3A_685] : memref<64x8x64xf32, #tpu.memory_space<vmem>> -> memref<1x1x64xf32, #tpu.memory_space<vmem>>
      %dma_start3A_687 = tpu.memref_squeeze %dma_start3A_686 : memref<1x1x64xf32, #tpu.memory_space<vmem>> -> memref<1x64xf32, #tpu.memory_space<vmem>>
      %dma_start3A_688 = arith.constant 0 : i32
      %dma_start3A_689 = tpu.memref_slice %arg2[%shift_right_arithmetic3A_677, %and3A_679, %dma_start3A_688] : memref<12500x8x64xf32, #tpu.memory_space<hbm>> -> memref<1x1x64xf32, #tpu.memory_space<hbm>>
      %dma_start3A_690 = tpu.memref_squeeze %dma_start3A_689 : memref<1x1x64xf32, #tpu.memory_space<hbm>> -> memref<1x64xf32, #tpu.memory_space<hbm>>
      %dma_start3A_691 = arith.constant 4 : i32
      %dma_start3A_692 = arith.constant 0 : i32
      %dma_start3A_693 = tpu.memref_slice %arg6[%add3A_683, %dma_start3A_691, %dma_start3A_692] : memref<64x8x64xf32, #tpu.memory_space<vmem>> -> memref<1x1x64xf32, #tpu.memory_space<vmem>>
      %dma_start3A_694 = tpu.memref_squeeze %dma_start3A_693 : memref<1x1x64xf32, #tpu.memory_space<vmem>> -> memref<1x64xf32, #tpu.memory_space<vmem>>
      %dma_start3A_695 = arith.constant 0 : i32
      %dma_start3A_696 = tpu.memref_slice %arg2[%shift_right_arithmetic3A_677, %and3A_679, %dma_start3A_695] : memref<12500x8x64xf32, #tpu.memory_space<hbm>> -> memref<1x1x64xf32, #tpu.memory_space<hbm>>
      %dma_start3A_697 = tpu.memref_squeeze %dma_start3A_696 : memref<1x1x64xf32, #tpu.memory_space<hbm>> -> memref<1x64xf32, #tpu.memory_space<hbm>>
      tpu.enqueue_dma source(%dma_start3A_697 : memref<1x64xf32, #tpu.memory_space<hbm>>) target(%dma_start3A_694 : memref<1x64xf32, #tpu.memory_space<vmem>>) target_semaphore(%arg7 : memref<!tpu.dma_semaphore, #tpu.memory_space<semaphore_mem>>)
      %slice3A_698 = vector.extract_strided_slice %get3A_385 {offsets = [13], sizes = [1], strides = [1]} : vector<16xi32> to vector<1xi32>
      %squeeze3A_699 = vector.extract %slice3A_698[0] : i32 from vector<1xi32>
      %shift_right_arithmetic3A_700 = arith.constant 3 : i32
      %shift_right_arithmetic3A_701 = arith.shrsi %squeeze3A_699, %shift_right_arithmetic3A_700 : i32
      %and3A_702 = arith.constant 7 : i32
      %and3A_703 = arith.andi %squeeze3A_699, %and3A_702 : i32
      %mul3A_704 = arith.constant 2 : i32
      %mul3A_705 = arith.muli %mul3A_704, %scan3A_379 : i32
      %add3A_706 = arith.constant 1 : i32
      %add3A_707 = arith.addi %mul3A_705, %add3A_706 : i32
      %dma_start3A_708 = arith.constant 5 : i32
      %dma_start3A_709 = arith.constant 0 : i32
      %dma_start3A_710 = tpu.memref_slice %arg6[%add3A_707, %dma_start3A_708, %dma_start3A_709] : memref<64x8x64xf32, #tpu.memory_space<vmem>> -> memref<1x1x64xf32, #tpu.memory_space<vmem>>
      %dma_start3A_711 = tpu.memref_squeeze %dma_start3A_710 : memref<1x1x64xf32, #tpu.memory_space<vmem>> -> memref<1x64xf32, #tpu.memory_space<vmem>>
      %dma_start3A_712 = arith.constant 0 : i32
      %dma_start3A_713 = tpu.memref_slice %arg2[%shift_right_arithmetic3A_701, %and3A_703, %dma_start3A_712] : memref<12500x8x64xf32, #tpu.memory_space<hbm>> -> memref<1x1x64xf32, #tpu.memory_space<hbm>>
      %dma_start3A_714 = tpu.memref_squeeze %dma_start3A_713 : memref<1x1x64xf32, #tpu.memory_space<hbm>> -> memref<1x64xf32, #tpu.memory_space<hbm>>
      %dma_start3A_715 = arith.constant 5 : i32
      %dma_start3A_716 = arith.constant 0 : i32
      %dma_start3A_717 = tpu.memref_slice %arg6[%add3A_707, %dma_start3A_715, %dma_start3A_716] : memref<64x8x64xf32, #tpu.memory_space<vmem>> -> memref<1x1x64xf32, #tpu.memory_space<vmem>>
      %dma_start3A_718 = tpu.memref_squeeze %dma_start3A_717 : memref<1x1x64xf32, #tpu.memory_space<vmem>> -> memref<1x64xf32, #tpu.memory_space<vmem>>
      %dma_start3A_719 = arith.constant 0 : i32
      %dma_start3A_720 = tpu.memref_slice %arg2[%shift_right_arithmetic3A_701, %and3A_703, %dma_start3A_719] : memref<12500x8x64xf32, #tpu.memory_space<hbm>> -> memref<1x1x64xf32, #tpu.memory_space<hbm>>
      %dma_start3A_721 = tpu.memref_squeeze %dma_start3A_720 : memref<1x1x64xf32, #tpu.memory_space<hbm>> -> memref<1x64xf32, #tpu.memory_space<hbm>>
      tpu.enqueue_dma source(%dma_start3A_721 : memref<1x64xf32, #tpu.memory_space<hbm>>) target(%dma_start3A_718 : memref<1x64xf32, #tpu.memory_space<vmem>>) target_semaphore(%arg7 : memref<!tpu.dma_semaphore, #tpu.memory_space<semaphore_mem>>)
      %slice3A_722 = vector.extract_strided_slice %get3A_385 {offsets = [14], sizes = [1], strides = [1]} : vector<16xi32> to vector<1xi32>
      %squeeze3A_723 = vector.extract %slice3A_722[0] : i32 from vector<1xi32>
      %shift_right_arithmetic3A_724 = arith.constant 3 : i32
      %shift_right_arithmetic3A_725 = arith.shrsi %squeeze3A_723, %shift_right_arithmetic3A_724 : i32
      %and3A_726 = arith.constant 7 : i32
      %and3A_727 = arith.andi %squeeze3A_723, %and3A_726 : i32
      %mul3A_728 = arith.constant 2 : i32
      %mul3A_729 = arith.muli %mul3A_728, %scan3A_379 : i32
      %add3A_730 = arith.constant 1 : i32
      %add3A_731 = arith.addi %mul3A_729, %add3A_730 : i32
      %dma_start3A_732 = arith.constant 6 : i32
      %dma_start3A_733 = arith.constant 0 : i32
      %dma_start3A_734 = tpu.memref_slice %arg6[%add3A_731, %dma_start3A_732, %dma_start3A_733] : memref<64x8x64xf32, #tpu.memory_space<vmem>> -> memref<1x1x64xf32, #tpu.memory_space<vmem>>
      %dma_start3A_735 = tpu.memref_squeeze %dma_start3A_734 : memref<1x1x64xf32, #tpu.memory_space<vmem>> -> memref<1x64xf32, #tpu.memory_space<vmem>>
      %dma_start3A_736 = arith.constant 0 : i32
      %dma_start3A_737 = tpu.memref_slice %arg2[%shift_right_arithmetic3A_725, %and3A_727, %dma_start3A_736] : memref<12500x8x64xf32, #tpu.memory_space<hbm>> -> memref<1x1x64xf32, #tpu.memory_space<hbm>>
      %dma_start3A_738 = tpu.memref_squeeze %dma_start3A_737 : memref<1x1x64xf32, #tpu.memory_space<hbm>> -> memref<1x64xf32, #tpu.memory_space<hbm>>
      %dma_start3A_739 = arith.constant 6 : i32
      %dma_start3A_740 = arith.constant 0 : i32
      %dma_start3A_741 = tpu.memref_slice %arg6[%add3A_731, %dma_start3A_739, %dma_start3A_740] : memref<64x8x64xf32, #tpu.memory_space<vmem>> -> memref<1x1x64xf32, #tpu.memory_space<vmem>>
      %dma_start3A_742 = tpu.memref_squeeze %dma_start3A_741 : memref<1x1x64xf32, #tpu.memory_space<vmem>> -> memref<1x64xf32, #tpu.memory_space<vmem>>
      %dma_start3A_743 = arith.constant 0 : i32
      %dma_start3A_744 = tpu.memref_slice %arg2[%shift_right_arithmetic3A_725, %and3A_727, %dma_start3A_743] : memref<12500x8x64xf32, #tpu.memory_space<hbm>> -> memref<1x1x64xf32, #tpu.memory_space<hbm>>
      %dma_start3A_745 = tpu.memref_squeeze %dma_start3A_744 : memref<1x1x64xf32, #tpu.memory_space<hbm>> -> memref<1x64xf32, #tpu.memory_space<hbm>>
      tpu.enqueue_dma source(%dma_start3A_745 : memref<1x64xf32, #tpu.memory_space<hbm>>) target(%dma_start3A_742 : memref<1x64xf32, #tpu.memory_space<vmem>>) target_semaphore(%arg7 : memref<!tpu.dma_semaphore, #tpu.memory_space<semaphore_mem>>)
      %slice3A_746 = vector.extract_strided_slice %get3A_385 {offsets = [15], sizes = [1], strides = [1]} : vector<16xi32> to vector<1xi32>
      %squeeze3A_747 = vector.extract %slice3A_746[0] : i32 from vector<1xi32>
      %shift_right_arithmetic3A_748 = arith.constant 3 : i32
      %shift_right_arithmetic3A_749 = arith.shrsi %squeeze3A_747, %shift_right_arithmetic3A_748 : i32
      %and3A_750 = arith.constant 7 : i32
      %and3A_751 = arith.andi %squeeze3A_747, %and3A_750 : i32
      %mul3A_752 = arith.constant 2 : i32
      %mul3A_753 = arith.muli %mul3A_752, %scan3A_379 : i32
      %add3A_754 = arith.constant 1 : i32
      %add3A_755 = arith.addi %mul3A_753, %add3A_754 : i32
      %dma_start3A_756 = arith.constant 7 : i32
      %dma_start3A_757 = arith.constant 0 : i32
      %dma_start3A_758 = tpu.memref_slice %arg6[%add3A_755, %dma_start3A_756, %dma_start3A_757] : memref<64x8x64xf32, #tpu.memory_space<vmem>> -> memref<1x1x64xf32, #tpu.memory_space<vmem>>
      %dma_start3A_759 = tpu.memref_squeeze %dma_start3A_758 : memref<1x1x64xf32, #tpu.memory_space<vmem>> -> memref<1x64xf32, #tpu.memory_space<vmem>>
      %dma_start3A_760 = arith.constant 0 : i32
      %dma_start3A_761 = tpu.memref_slice %arg2[%shift_right_arithmetic3A_749, %and3A_751, %dma_start3A_760] : memref<12500x8x64xf32, #tpu.memory_space<hbm>> -> memref<1x1x64xf32, #tpu.memory_space<hbm>>
      %dma_start3A_762 = tpu.memref_squeeze %dma_start3A_761 : memref<1x1x64xf32, #tpu.memory_space<hbm>> -> memref<1x64xf32, #tpu.memory_space<hbm>>
      %dma_start3A_763 = arith.constant 7 : i32
      %dma_start3A_764 = arith.constant 0 : i32
      %dma_start3A_765 = tpu.memref_slice %arg6[%add3A_755, %dma_start3A_763, %dma_start3A_764] : memref<64x8x64xf32, #tpu.memory_space<vmem>> -> memref<1x1x64xf32, #tpu.memory_space<vmem>>
      %dma_start3A_766 = tpu.memref_squeeze %dma_start3A_765 : memref<1x1x64xf32, #tpu.memory_space<vmem>> -> memref<1x64xf32, #tpu.memory_space<vmem>>
      %dma_start3A_767 = arith.constant 0 : i32
      %dma_start3A_768 = tpu.memref_slice %arg2[%shift_right_arithmetic3A_749, %and3A_751, %dma_start3A_767] : memref<12500x8x64xf32, #tpu.memory_space<hbm>> -> memref<1x1x64xf32, #tpu.memory_space<hbm>>
      %dma_start3A_769 = tpu.memref_squeeze %dma_start3A_768 : memref<1x1x64xf32, #tpu.memory_space<hbm>> -> memref<1x64xf32, #tpu.memory_space<hbm>>
      tpu.enqueue_dma source(%dma_start3A_769 : memref<1x64xf32, #tpu.memory_space<hbm>>) target(%dma_start3A_766 : memref<1x64xf32, #tpu.memory_space<vmem>>) target_semaphore(%arg7 : memref<!tpu.dma_semaphore, #tpu.memory_space<semaphore_mem>>)
      %dma_wait3A_770 = arith.constant 0 : i32
      %dma_wait3A_771 = arith.constant 0 : i32
      %dma_wait3A_772 = arith.constant 0 : i32
      %dma_wait3A_773 = arith.constant 0 : i32
      %dma_wait3A_774 = tpu.memref_slice %arg6[%dma_wait3A_771, %dma_wait3A_772, %dma_wait3A_773] : memref<64x8x64xf32, #tpu.memory_space<vmem>> -> memref<1x8x64xf32, #tpu.memory_space<vmem>>
      %dma_wait3A_775 = tpu.memref_squeeze %dma_wait3A_774 : memref<1x8x64xf32, #tpu.memory_space<vmem>> -> memref<8x64xf32, #tpu.memory_space<vmem>>
      %dma_wait3A_776 = arith.constant 0 : i32
      %dma_wait3A_777 = arith.constant 0 : i32
      %dma_wait3A_778 = tpu.memref_slice %arg2[%dma_wait3A_770, %dma_wait3A_776, %dma_wait3A_777] : memref<12500x8x64xf32, #tpu.memory_space<hbm>> -> memref<1x8x64xf32, #tpu.memory_space<hbm>>
      %dma_wait3A_779 = tpu.memref_squeeze %dma_wait3A_778 : memref<1x8x64xf32, #tpu.memory_space<hbm>> -> memref<8x64xf32, #tpu.memory_space<hbm>>
      %dma_wait3A_780 = arith.constant 0 : i32
      %dma_wait3A_781 = arith.constant 0 : i32
      %dma_wait3A_782 = tpu.memref_slice %arg6[%dma_wait3A_771, %dma_wait3A_780, %dma_wait3A_781] : memref<64x8x64xf32, #tpu.memory_space<vmem>> -> memref<1x8x64xf32, #tpu.memory_space<vmem>>
      %dma_wait3A_783 = tpu.memref_squeeze %dma_wait3A_782 : memref<1x8x64xf32, #tpu.memory_space<vmem>> -> memref<8x64xf32, #tpu.memory_space<vmem>>
      %dma_wait3A_784 = arith.constant 0 : i32
      %dma_wait3A_785 = arith.constant 0 : i32
      %dma_wait3A_786 = tpu.memref_slice %arg2[%dma_wait3A_770, %dma_wait3A_784, %dma_wait3A_785] : memref<12500x8x64xf32, #tpu.memory_space<hbm>> -> memref<1x8x64xf32, #tpu.memory_space<hbm>>
      %dma_wait3A_787 = tpu.memref_squeeze %dma_wait3A_786 : memref<1x8x64xf32, #tpu.memory_space<hbm>> -> memref<8x64xf32, #tpu.memory_space<hbm>>
      tpu.wait_dma2 semaphore(%arg7 : memref<!tpu.dma_semaphore, #tpu.memory_space<semaphore_mem>>) src(%dma_wait3A_787 : memref<8x64xf32, #tpu.memory_space<hbm>>) dst(%dma_wait3A_783 : memref<8x64xf32, #tpu.memory_space<vmem>>)
      %dma_wait3A_788 = arith.constant 0 : i32
      %dma_wait3A_789 = arith.constant 0 : i32
      %dma_wait3A_790 = arith.constant 0 : i32
      %dma_wait3A_791 = arith.constant 0 : i32
      %dma_wait3A_792 = tpu.memref_slice %arg6[%dma_wait3A_789, %dma_wait3A_790, %dma_wait3A_791] : memref<64x8x64xf32, #tpu.memory_space<vmem>> -> memref<1x8x64xf32, #tpu.memory_space<vmem>>
      %dma_wait3A_793 = tpu.memref_squeeze %dma_wait3A_792 : memref<1x8x64xf32, #tpu.memory_space<vmem>> -> memref<8x64xf32, #tpu.memory_space<vmem>>
      %dma_wait3A_794 = arith.constant 0 : i32
      %dma_wait3A_795 = arith.constant 0 : i32
      %dma_wait3A_796 = tpu.memref_slice %arg2[%dma_wait3A_788, %dma_wait3A_794, %dma_wait3A_795] : memref<12500x8x64xf32, #tpu.memory_space<hbm>> -> memref<1x8x64xf32, #tpu.memory_space<hbm>>
      %dma_wait3A_797 = tpu.memref_squeeze %dma_wait3A_796 : memref<1x8x64xf32, #tpu.memory_space<hbm>> -> memref<8x64xf32, #tpu.memory_space<hbm>>
      %dma_wait3A_798 = arith.constant 0 : i32
      %dma_wait3A_799 = arith.constant 0 : i32
      %dma_wait3A_800 = tpu.memref_slice %arg6[%dma_wait3A_789, %dma_wait3A_798, %dma_wait3A_799] : memref<64x8x64xf32, #tpu.memory_space<vmem>> -> memref<1x8x64xf32, #tpu.memory_space<vmem>>
      %dma_wait3A_801 = tpu.memref_squeeze %dma_wait3A_800 : memref<1x8x64xf32, #tpu.memory_space<vmem>> -> memref<8x64xf32, #tpu.memory_space<vmem>>
      %dma_wait3A_802 = arith.constant 0 : i32
      %dma_wait3A_803 = arith.constant 0 : i32
      %dma_wait3A_804 = tpu.memref_slice %arg2[%dma_wait3A_788, %dma_wait3A_802, %dma_wait3A_803] : memref<12500x8x64xf32, #tpu.memory_space<hbm>> -> memref<1x8x64xf32, #tpu.memory_space<hbm>>
      %dma_wait3A_805 = tpu.memref_squeeze %dma_wait3A_804 : memref<1x8x64xf32, #tpu.memory_space<hbm>> -> memref<8x64xf32, #tpu.memory_space<hbm>>
      tpu.wait_dma2 semaphore(%arg7 : memref<!tpu.dma_semaphore, #tpu.memory_space<semaphore_mem>>) src(%dma_wait3A_805 : memref<8x64xf32, #tpu.memory_space<hbm>>) dst(%dma_wait3A_801 : memref<8x64xf32, #tpu.memory_space<vmem>>)
      %scan3A_806 = arith.constant 0 : i32
      scf.yield %scan3A_806 : i32
    }
    %scan3A_341 = arith.constant 31 : i32
    %dma_wait3A = arith.constant 0 : i32
    %dma_wait3A_342 = arith.constant 0 : i32
    %dma_wait3A_343 = arith.constant 0 : i32
    %dma_wait3A_344 = arith.constant 0 : i32
    %dma_wait3A_345 = tpu.memref_slice %arg6[%dma_wait3A_342, %dma_wait3A_343, %dma_wait3A_344] : memref<64x8x64xf32, #tpu.memory_space<vmem>> -> memref<1x8x64xf32, #tpu.memory_space<vmem>>
    %dma_wait3A_346 = tpu.memref_squeeze %dma_wait3A_345 : memref<1x8x64xf32, #tpu.memory_space<vmem>> -> memref<8x64xf32, #tpu.memory_space<vmem>>
    %dma_wait3A_347 = arith.constant 0 : i32
    %dma_wait3A_348 = arith.constant 0 : i32
    %dma_wait3A_349 = tpu.memref_slice %arg2[%dma_wait3A, %dma_wait3A_347, %dma_wait3A_348] : memref<12500x8x64xf32, #tpu.memory_space<hbm>> -> memref<1x8x64xf32, #tpu.memory_space<hbm>>
    %dma_wait3A_350 = tpu.memref_squeeze %dma_wait3A_349 : memref<1x8x64xf32, #tpu.memory_space<hbm>> -> memref<8x64xf32, #tpu.memory_space<hbm>>
    %dma_wait3A_351 = arith.constant 0 : i32
    %dma_wait3A_352 = arith.constant 0 : i32
    %dma_wait3A_353 = tpu.memref_slice %arg6[%dma_wait3A_342, %dma_wait3A_351, %dma_wait3A_352] : memref<64x8x64xf32, #tpu.memory_space<vmem>> -> memref<1x8x64xf32, #tpu.memory_space<vmem>>
    %dma_wait3A_354 = tpu.memref_squeeze %dma_wait3A_353 : memref<1x8x64xf32, #tpu.memory_space<vmem>> -> memref<8x64xf32, #tpu.memory_space<vmem>>
    %dma_wait3A_355 = arith.constant 0 : i32
    %dma_wait3A_356 = arith.constant 0 : i32
    %dma_wait3A_357 = tpu.memref_slice %arg2[%dma_wait3A, %dma_wait3A_355, %dma_wait3A_356] : memref<12500x8x64xf32, #tpu.memory_space<hbm>> -> memref<1x8x64xf32, #tpu.memory_space<hbm>>
    %dma_wait3A_358 = tpu.memref_squeeze %dma_wait3A_357 : memref<1x8x64xf32, #tpu.memory_space<hbm>> -> memref<8x64xf32, #tpu.memory_space<hbm>>
    tpu.wait_dma2 semaphore(%arg7 : memref<!tpu.dma_semaphore, #tpu.memory_space<semaphore_mem>>) src(%dma_wait3A_358 : memref<8x64xf32, #tpu.memory_space<hbm>>) dst(%dma_wait3A_354 : memref<8x64xf32, #tpu.memory_space<vmem>>)
    %dma_wait3A_359 = arith.constant 0 : i32
    %dma_wait3A_360 = arith.constant 0 : i32
    %dma_wait3A_361 = arith.constant 0 : i32
    %dma_wait3A_362 = arith.constant 0 : i32
    %dma_wait3A_363 = tpu.memref_slice %arg6[%dma_wait3A_360, %dma_wait3A_361, %dma_wait3A_362] : memref<64x8x64xf32, #tpu.memory_space<vmem>> -> memref<1x8x64xf32, #tpu.memory_space<vmem>>
    %dma_wait3A_364 = tpu.memref_squeeze %dma_wait3A_363 : memref<1x8x64xf32, #tpu.memory_space<vmem>> -> memref<8x64xf32, #tpu.memory_space<vmem>>
    %dma_wait3A_365 = arith.constant 0 : i32
    %dma_wait3A_366 = arith.constant 0 : i32
    %dma_wait3A_367 = tpu.memref_slice %arg2[%dma_wait3A_359, %dma_wait3A_365, %dma_wait3A_366] : memref<12500x8x64xf32, #tpu.memory_space<hbm>> -> memref<1x8x64xf32, #tpu.memory_space<hbm>>
    %dma_wait3A_368 = tpu.memref_squeeze %dma_wait3A_367 : memref<1x8x64xf32, #tpu.memory_space<hbm>> -> memref<8x64xf32, #tpu.memory_space<hbm>>
    %dma_wait3A_369 = arith.constant 0 : i32
    %dma_wait3A_370 = arith.constant 0 : i32
    %dma_wait3A_371 = tpu.memref_slice %arg6[%dma_wait3A_360, %dma_wait3A_369, %dma_wait3A_370] : memref<64x8x64xf32, #tpu.memory_space<vmem>> -> memref<1x8x64xf32, #tpu.memory_space<vmem>>
    %dma_wait3A_372 = tpu.memref_squeeze %dma_wait3A_371 : memref<1x8x64xf32, #tpu.memory_space<vmem>> -> memref<8x64xf32, #tpu.memory_space<vmem>>
    %dma_wait3A_373 = arith.constant 0 : i32
    %dma_wait3A_374 = arith.constant 0 : i32
    %dma_wait3A_375 = tpu.memref_slice %arg2[%dma_wait3A_359, %dma_wait3A_373, %dma_wait3A_374] : memref<12500x8x64xf32, #tpu.memory_space<hbm>> -> memref<1x8x64xf32, #tpu.memory_space<hbm>>
    %dma_wait3A_376 = tpu.memref_squeeze %dma_wait3A_375 : memref<1x8x64xf32, #tpu.memory_space<hbm>> -> memref<8x64xf32, #tpu.memory_space<hbm>>
    tpu.wait_dma2 semaphore(%arg7 : memref<!tpu.dma_semaphore, #tpu.memory_space<semaphore_mem>>) src(%dma_wait3A_376 : memref<8x64xf32, #tpu.memory_space<hbm>>) dst(%dma_wait3A_372 : memref<8x64xf32, #tpu.memory_space<vmem>>)
    %mul3A_377 = arith.constant 64 : i32
    %mul3A_378 = arith.muli %add3A, %mul3A_377 : i32
    "tpu.region"() ({
      %run_scoped3A = tpu.sem_alloc : memref<!tpu.dma_semaphore, #tpu.memory_space<semaphore_mem>>
      %dma_start3A_379 = arith.constant 0 : i32
      %dma_start3A_380 = arith.constant 0 : i32
      %dma_start3A_381 = tpu.memref_slice %arg4[%mul3A_378, %dma_start3A_379, %dma_start3A_380] : memref<2048x8x64xf32, #tpu.memory_space<hbm>> -> memref<64x8x64xf32, #tpu.memory_space<hbm>>
      %dma_start3A_382 = arith.constant 0 : i32
      %dma_start3A_383 = arith.constant 0 : i32
      %dma_start3A_384 = tpu.memref_slice %arg4[%mul3A_378, %dma_start3A_382, %dma_start3A_383] : memref<2048x8x64xf32, #tpu.memory_space<hbm>> -> memref<64x8x64xf32, #tpu.memory_space<hbm>>
      tpu.enqueue_dma source(%arg6 : memref<64x8x64xf32, #tpu.memory_space<vmem>>) target(%dma_start3A_384 : memref<64x8x64xf32, #tpu.memory_space<hbm>>) target_semaphore(%run_scoped3A : memref<!tpu.dma_semaphore, #tpu.memory_space<semaphore_mem>>)
      %dma_wait3A_385 = arith.constant 0 : i32
      %dma_wait3A_386 = arith.constant 0 : i32
      %dma_wait3A_387 = tpu.memref_slice %arg4[%mul3A_378, %dma_wait3A_385, %dma_wait3A_386] : memref<2048x8x64xf32, #tpu.memory_space<hbm>> -> memref<64x8x64xf32, #tpu.memory_space<hbm>>
      %dma_wait3A_388 = arith.constant 0 : i32
      %dma_wait3A_389 = arith.constant 0 : i32
      %dma_wait3A_390 = tpu.memref_slice %arg4[%mul3A_378, %dma_wait3A_388, %dma_wait3A_389] : memref<2048x8x64xf32, #tpu.memory_space<hbm>> -> memref<64x8x64xf32, #tpu.memory_space<hbm>>
      tpu.wait_dma2 semaphore(%run_scoped3A : memref<!tpu.dma_semaphore, #tpu.memory_space<semaphore_mem>>) src(%arg6 : memref<64x8x64xf32, #tpu.memory_space<vmem>>) dst(%dma_wait3A_390 : memref<64x8x64xf32, #tpu.memory_space<hbm>>)
      tpu.yield
    }) : () -> ()
    return
  }
}

</mosaic_0001>

<sc_bundles>
// kernel: kernel.3.cloned.1.call-start
scs
__scs_entry_jumppad:
0x0: {  	(pc) =	sbr.rel $0x88, $3  }
0x1: {  	(tag) =	ssettag $0x0;
	lr =	simm.s32 $0x1  }
0x2: {  	[smem:$0x3F9F] =	sst lr;
	_ =	strace $0xD0000000  }
0x3: {  	_ = 	snop  }
0x4: {  	_ = 	snop  }
0x5: {  	_ = 	snop  }
0x6: {  	_ = 	snop  }
0x7: {  	_ = 	snop  }
__scs_overlays_trampoline_lowered:
0x8: {  	[smem:$0x3FAE] =	sst s0  }
0x9: {  	[smem:$0x3FAF] =	sst s1  }
0xa: {  	[smem:$0x3FB0] =	sst s2  }
0xb: {  	[smem:$0x3FB1] =	sst s3  }
0xc: {  	[smem:$0x3FB2] =	sst s4  }
0xd: {  	[smem:$0x3FB3] =	sst s5  }
0xe: {  	[smem:$0x3FB4] =	sst s6  }
0xf: {  	[smem:$0x3FB5] =	sst s7  }
0x10: {  	[smem:$0x3FB6] =	sst s8  }
0x11: {  	[smem:$0x3FB7] =	sst s9;
	s0 =	simm.s32 @!p0 $0x0  }
0x12: {  	s1 =	sld [smem:$0x3F9D];
	s0 =	simm.s32 @p0 $0x1  }
0x13: {  	[smem:$0x3FB8] =	sst s0;
	s0 =	simm.s32 @!p1 $0x0  }
0x14: {  	s2 =	sld [smem:$0x3F9C];
	s0 =	simm.s32 @p1 $0x1  }
0x15: {  	[smem:$0x3FB9] =	sst s0;
	s0 =	simm.s32 @!p2 $0x0  }
0x16: {  	s3 =	sld [smem:$0x3FDB];
	s0 =	simm.s32 @p2 $0x1  }
0x17: {  	s4 =	simm.s32 $0x1BF5;
	[smem:$0x3FBB] =	sst s0  }
0x18: {  	s0 =	sld [smem:$0x3F9E];
	_ =	swait.ge [sflag:s4], $0x0  }
0x19: {  	s7 =	sld [smem:$0x3F9F]  }
0x1a: {  	s8 =	sadd.s32 $0xFFFFE003, lr  }
0x1b: {  	s9 =	sadd.s32 $0xFFFFFEF7, lr;
	s5 =	simm.s32 $0xFFFFFFFF;
	p2 =	slt.u32 s8, $0xFFFFF086  }
0x1c: {  	p1 =	slt.u32 s9, $0xF7A;
	s5 =	simm.s32 @!p2 $0x0  }
0x1d: {  	s5 =	simm.s32 @p1 $0x1;
	p0 =	seq.s32 s7, s2  }
0x1e: {  	s7 =	smul.u32 @!p0 $0xF7A, s2;
	p2 =	seq.s32 @!p0 s5, $0x0  }
0x1f: {  	s9 =	smul.u32 $0xF7A, s1;
	s8 =	simm.s32 @!p0 $0x1BF5;
	p2 =	por !p2, p0  }
0x20: {  	[sflag:s8] =	ssyncset.s32 @!p0 $0xFFFFF086;
	s6 =	sadd.s32 @!p0 s3, s7;
	s7 =	simm.s32 @!p0 $0x108  }
0x21: {  	s3 =	sadd.s32 s3, s9;
	s6 =	sadd.s32 @!p0 $0x88, s6;
	s7 =	simm.s32 @p2 $0x1082  }
0x22: {  	[simem:s7], [sflag:s8] =	dma.local @!p0 [hbm:s6], $0xF7A  }
0x23: {  	s9 =	sor.u32 $0xD0000000, s2;
	s6 =	simm.s32 $0x108;
	_ =	swait.ge @!p0 [sflag:s8], $0x0  }
0x24: {  	s3 =	sadd.s32 $0x88, s3;
	s6 =	simm.s32 @!p1 $0x1082;
	[sflag:s4] =	ssyncset.s32 $0xFFFFF086  }
0x25: {  	[simem:s6], [sflag:s4] =	dma.local [hbm:s3], $0xF7A  }
0x26: {  	[smem:$0x3F9F] =	sst s1;
	(tag) =	ssettag s2;
	_ =	strace s9  }
0x27: {  	s1 =	sld [smem:$0x3FAF]  }
0x28: {  	s2 =	sld [smem:$0x3FB0]  }
0x29: {  	s4 =	sld [smem:$0x3FB2]  }
0x2a: {  	p0 =	seq.s32 s5, $0x0;
	s5 =	sld [smem:$0x3FB3]  }
0x2b: {  	s6 =	sld [smem:$0x3FB4]  }
0x2c: {  	s7 =	sld [smem:$0x3FB5]  }
0x2d: {  	s3 =	simm.s32 $0x108;
	s8 =	sld [smem:$0x3FB6]  }
0x2e: {  	s3 =	simm.s32 @!p0 $0x1082;
	s9 =	sld [smem:$0x3FB7]  }
0x2f: {  	lr =	sadd.s32 s0, s3;
	s0 =	sld [smem:$0x3FAE]  }
0x30: {  	s3 =	sld [smem:$0x3FB1]  }
0x31: {  	[smem:$0x3FBA] =	sst s10  }
0x32: {  	s10 =	sld [smem:$0x3FB8];
	_ =	sdelay $0x3  }
0x33: {  	p0 =	seq.s32 s10, $0x1;
	s10 =	sld [smem:$0x3FBA];
	_ =	sdelay $0x3  }
0x34: {  	[smem:$0x3FBA] =	sst s10  }
0x35: {  	s10 =	sld [smem:$0x3FB9];
	_ =	sdelay $0x3  }
0x36: {  	p1 =	seq.s32 s10, $0x1;
	s10 =	sld [smem:$0x3FBA];
	_ =	sdelay $0x3  }
0x37: {  	[smem:$0x3FBA] =	sst s10  }
0x38: {  	s10 =	sld [smem:$0x3FBB]  }
0x39: {  	_ = 	snop;
	(pc) =	sbr.ind lr, $3  }
0x3a: {  	_ = 	snop  }
0x3b: {  	_ = 	snop  }
0x3c: {  	p2 =	seq.s32 s10, $0x1;
	s10 =	sld [smem:$0x3FBA]  }
0x3d: {  	_ =	shalt  }
0x3e: {  	_ =	shalt  }
0x3f: {  	_ =	shalt  }
0x40: {  	_ =	shalt  }
0x41: {  	_ =	shalt  }
0x42: {  	_ =	shalt  }
0x43: {  	_ =	shalt  }
0x44: {  	_ =	shalt  }
0x45: {  	_ =	shalt  }
0x46: {  	_ =	shalt  }
0x47: {  	_ =	shalt  }
0x48: {  	_ =	shalt  }
0x49: {  	_ =	shalt  }
0x4a: {  	_ =	shalt  }
0x4b: {  	_ =	shalt  }
0x4c: {  	_ =	shalt  }
0x4d: {  	_ =	shalt  }
0x4e: {  	_ =	shalt  }
0x4f: {  	_ =	shalt  }
0x50: {  	_ =	shalt  }
0x51: {  	_ =	shalt  }
0x52: {  	_ =	shalt  }
0x53: {  	_ =	shalt  }
0x54: {  	_ =	shalt  }
0x55: {  	_ =	shalt  }
0x56: {  	_ =	shalt  }
0x57: {  	_ =	shalt  }
0x58: {  	_ =	shalt  }
0x59: {  	_ =	shalt  }
0x5a: {  	_ =	shalt  }
0x5b: {  	_ =	shalt  }
0x5c: {  	_ =	shalt  }
0x5d: {  	_ =	shalt  }
0x5e: {  	_ =	shalt  }
0x5f: {  	_ =	shalt  }
0x60: {  	_ =	shalt  }
0x61: {  	_ =	shalt  }
0x62: {  	_ =	shalt  }
0x63: {  	_ =	shalt  }
0x64: {  	_ =	shalt  }
0x65: {  	_ =	shalt  }
0x66: {  	_ =	shalt  }
0x67: {  	_ =	shalt  }
0x68: {  	_ =	shalt  }
0x69: {  	_ =	shalt  }
0x6a: {  	_ =	shalt  }
0x6b: {  	_ =	shalt  }
0x6c: {  	_ =	shalt  }
0x6d: {  	_ =	shalt  }
0x6e: {  	_ =	shalt  }
0x6f: {  	_ =	shalt  }
0x70: {  	_ =	shalt  }
0x71: {  	_ =	shalt  }
0x72: {  	_ =	shalt  }
0x73: {  	_ =	shalt  }
0x74: {  	_ =	shalt  }
0x75: {  	_ =	shalt  }
0x76: {  	_ =	shalt  }
0x77: {  	_ =	shalt  }
0x78: {  	_ =	shalt  }
0x79: {  	_ =	shalt  }
0x7a: {  	_ =	shalt  }
0x7b: {  	_ =	shalt  }
0x7c: {  	_ =	shalt  }
0x7d: {  	_ =	shalt  }
0x7e: {  	_ =	shalt  }
0x7f: {  	_ =	shalt  }
0x80: {  	_ =	shalt  }
0x81: {  	_ =	shalt  }
0x82: {  	_ =	shalt  }
0x83: {  	_ =	shalt  }
0x84: {  	_ =	shalt  }
0x85: {  	_ =	shalt  }
0x86: {  	_ =	shalt  }
0x87: {  	_ =	shalt  }
.Lfunc_end0:
.L_simem_size_0:
called_computation_lowered:
.L_overlay_start_0:
0x88: {  	s2 =	sld [smem:$0x3FD9]  }
0x89: {  	s3 =	sld [smem:$0x3FFE];
	_ =	sdelay $0x1  }
0x8a: {  	s1 =	srdreg.scid  }
0x8b: {  	s0 =	sand.u32 $0x1, s1  }
0x8c: {  	s17 =	sshll.u32 s0, $0xA;
	s2 =	sadd.s32 s3, s2  }
0x8d: {  	s2 =	sadd.s32 s2, s17  }
0x8e: {  	[smem:$0x3FC6] =	sst s2  }
0x8f: {  	_ = 	snop  }
0x90: {  	s2 =	sld [smem:$0x3FC9];
	(tm) =	ssettm $0x1  }
0x91: {  	s18 =	sld [smem:$0x3FFB];
	_ =	sdelay $0x3  }
0x92: {  	_ =	strace s18  }
0x93: {  	s3 =	sld [smem:$0x3FFC];
	_ =	sdelay $0x3  }
0x94: {  	_ =	strace s3  }
0x95: {  	s3 =	sld [smem:$0x3FFD];
	_ =	sdelay $0x3  }
0x96: {  	_ =	strace s3  }
0x97: {  	_ =	strace $0x8FFFFFFF  }
0x98: {  	s19 =	sld [smem:$0x3FDB];
	_ =	sdelay $0x1  }
0x99: {  	s4 =	simm.s32 $_scs_section_size  }
0x9a: {  	s5 =	simm.s32 $_size__tile_overlayer_lowered;
	s6 =	simm.s32 $_tile_overlayer_lowered  }
0x9b: {  	s22 =	simm.s32 $0x1BFF;
	s21 =	sshll.u32 s6, $0x1;
	s3 =	sadd.s32 s4, s19  }
0x9c: {  	s7 =	simm.s32 $0x0;
	s20 =	sshll.u32 s5, $0x1;
	s5 =	sadd.s32 s21, s3  }
0x9d: {  	[timem:s7], [sflag:s22] =	dma.local [hbm:s5], s20  }
0x9e: {  	_ =	swait.ge [sflag:s22], s20  }
0x9f: {  	s4 =	ssub.s32 $0x0, s20;
	[sflag:s22] =	ssyncset.done $0x0  }
0xa0: {  	[sflag:s22] =	ssyncadd.s32 s4;
	_ =	sdelay $0x1  }
0xa1: {  	s23 =	simm.s32 $0x1B8B  }
0xa2: {  	_ =	swait.ge [sflag:s23], $0x1  }
0xa3: {  	[sflag:s23] =	ssyncset.done $0x0  }
0xa4: {  	s25 =	simm.s32 $0x1B8E;
	s24 =	sld [smem:$0x3FFE];
	[sflag:s23] =	ssyncadd.s32 $0xFFFFFFFF  }
0xa5: {  	s26 =	simm.s32 $execute0_lowered;
	[smem:$0x3FD2] =	sst s25  }
0xa6: {  	s5 =	sshll.u32 s26, $0x1;
	_ =	strace $0x80000046;
	[dreg:$0x1] =	wrdreg $0xFFFFFFFF  }
0xa7: {  	s28 =	simm.s32 $_size_execute0_lowered;
	s3 =	sadd.s32 s3, s5;
	[dreg:$0x0] =	wrdreg $0x0  }
0xa8: {  	s5 =	sshll.u32 s28, $0x1;
	[dreg:$0x2] =	wrdreg s3  }
0xa9: {  	[dreg:$0x3] =	wrdreg s5  }
0xaa: {  	[dreg:$0x4] =	wrdreg $0xC0  }
0xab: {  	_ =	task [dreg:s7], $0x5FFFF  }
0xac: {  	[dreg:$0x1] =	wrdreg $0xFFFFFFFF  }
0xad: {  	[dreg:$0x0] =	wrdreg $0x60  }
0xae: {  	[dreg:$0x2] =	wrdreg s24  }
0xaf: {  	[dreg:$0x3] =	wrdreg s2  }
0xb0: {  	[dreg:$0x4] =	wrdreg $0x9  }
0xb1: {  	_ =	task.clear_ibuf [dreg:s7], $0x5FFFF;
	_ =	strace $0x90000046  }
0xb2: {  	s29 =	simm.s32 $0x9;
	_ =	strace $0x80000048  }
0xb3: {  	_ =	swait.ge [sflag:s29], $0x1  }
0xb4: {  	[sflag:s29] =	ssyncadd.s32 $0xFFFFFFFF  }
0xb5: {  	_ =	strace $0x90000048  }
0xb6: {  	_ =	sfence  }
0xb7: {  	s30 =	sld [smem:$0x0];
	_ =	sdelay $0x2  }
0xb8: {  	s31 =	sshll.u32 s1, $0xD;
	s1 =	sshrl.u32 s1, $0x2  }
0xb9: {  	s3 =	sand.u32 $0x4000, s31;
	s1 =	sadd.s32 s1, s30  }
0xba: {  	s0 =	sor.u32 s3, s0;
	s1 =	sshll.u32 s1, $0x11  }
0xbb: {  	s0 =	sor.u32 s1, s0  }
0xbc: {  	s0 =	sadd.s32 $0x8F2B, s0  }
0xbd: {  	[sflag:s0] =	ssyncadd.remote.s32 $0x1  }
0xbe: {  	_ =	sfence.sel $0xFFFF  }
0xbf: {  	[dreg:$0x0] =	wrdreg $0xFFFFFFFF;
	(pc) =	sbr.abs _section_cstart, $3  }
0xc0: {  	[dreg:$0x1] =	wrdreg $0xFFFFFFFF  }
0xc1: {  	_ =	task.clear_ibuf [dreg:s7], $0x2FFFF;
	_ =	strace $0x9FFFFFFF  }
0xc2: {  	(tm) =	ssettm $0x7FFFFFFF  }
0xc3: {  	_ =	shalt  }
tec
execute0_lowered:
.L_overlay_start_1:
0x0: {  	(tag) =	ssettag $0x1  }
0x1: {  	s0 =	rddreg [dreg:$0x0]  }
0x2: {  	s1 =	rddreg [dreg:$0x1]  }
0x3: {  	s2 =	simm.s32 $0x0;
	s3 =	srdreg.scid;
	s5 =	stileid.u32  }
0x4: {  	s8 =	simm.s32 $0x200;
	s22 =	simm.s32 $0x900;
	s23 =	simm.s32 $0x980  }
0x5: {  	s24 =	simm.s32 $0x1;
	s25 =	simm.s32 $0x0;
	[smem:$0x7FF] =	sst s2  }
0x6: {  	s4 =	sand.u32 $0x1, s3;
	s5 =	sshll.u32 s5, $0x1;
	s3 =	sadd.s32 $0x400, s0  }
0x7: {  	_ =	strace $0x80000047;
	s5 =	sor.u32 s4, s5;
	s4 =	ssub.s32 $0x2, s4  }
0x8: {  	s6 =	sshll.u32 s5, $0xD;
	s7 =	sshrl.u32 s4, $0x1;
	s5 =	sshll.u32 s5, $0x6  }
0x9: {  	s0 =	sadd.s32 s6, s0;
	s31 =	ssub.s32 s4, s7;
	s4 =	sadd.s32 s1, s5  }
0xa: {  	s7 =	simm.s32 $0x2;
	s5 =	sadd.s32 $0x186E00, s0;
	s6 =	smax.u32 s31, $0x1  }
.LBB2_1:
0xb: {  	[tilespmem:s2], [sflag:$0x2] =	stream.linear.gather [hbm4b:s4+s2], $0x200, $0x38;
	[tilespmem:$0x10200] =	vst v63  }
0xc: {  	_ =	swait.ge [sflag:s7], $0x200  }
0xd: {  	[sflag:s7] =	ssyncset.done $0x0  }
0xe: {  	[sflag:s7] =	ssyncadd.s32 $0xFFFFFE00  }
0xf: {  	v0 =	vld [tilespmem:$0x0];
	_ =	sdelay $0x4  }
0x10: {  	v0 =	vshll.u32 v0, $0x4  }
0x11: {  	(v2sf) =	vpush v0, $0x0;
	_ =	sdelay $0x6  }
0x12: {  	(v2sf) =	vpush v0, $0x1;
	_ =	sdelay $0x2  }
0x13: {  	(v2sf) =	vpush v0, $0x2;
	_ =	sdelay $0x2  }
0x14: {  	(v2sf) =	vpush v0, $0x3;
	_ =	sdelay $0x1  }
0x15: {  	s0 =	spop (v2sf);
	(v2sf) =	vpush v0, $0x4;
	_ =	sdelay $0x1  }
0x16: {  	(v2sf) =	vpush v0, $0x5;
	_ =	sdelay $0x1  }
0x17: {  	(v2sf) =	vpush v0, $0x6;
	_ =	sdelay $0x1  }
0x18: {  	s0 =	sand.u32 $0x1FFFFFF0, s0  }
0x19: {  	s14 =	spop (v2sf);
	s0 =	sadd.s32 s3, s0;
	(v2sf) =	vpush v0, $0x7  }
0x1a: {  	[tilespmem:s8], [sflag:$0x1] =	stream.linear.gather [hbm4b:s0+s2], $0x80, $0x38;
	[tilespmem:$0x10200] =	vst v63  }
0x1b: {  	s0 =	sand.u32 $0x1FFFFFF0, s14  }
0x1c: {  	s1 =	simm.s32 $0x280;
	s15 =	spop (v2sf);
	s0 =	sadd.s32 s3, s0  }
0x1d: {  	[tilespmem:s1], [sflag:$0x1] =	stream.linear.gather [hbm4b:s0+s2], $0x80, $0x38;
	[tilespmem:$0x10200] =	vst v63  }
0x1e: {  	s0 =	sand.u32 $0x1FFFFFF0, s15  }
0x1f: {  	s16 =	simm.s32 $0x300;
	s17 =	spop (v2sf);
	s0 =	sadd.s32 s3, s0  }
0x20: {  	[tilespmem:s16], [sflag:$0x1] =	stream.linear.gather [hbm4b:s0+s2], $0x80, $0x38;
	[tilespmem:$0x10200] =	vst v63  }
0x21: {  	s19 =	spop (v2sf);
	(v2sf) =	vpush v0, $0x8  }
0x22: {  	s0 =	sand.u32 $0x1FFFFFF0, s17  }
0x23: {  	s18 =	simm.s32 $0x380;
	s0 =	sadd.s32 s3, s0;
	s21 =	spop (v2sf);
	(v2sf) =	vpush v0, $0x9  }
0x24: {  	[tilespmem:s18], [sflag:$0x1] =	stream.linear.gather [hbm4b:s0+s2], $0x80, $0x38;
	[tilespmem:$0x10200] =	vst v63  }
0x25: {  	s0 =	sand.u32 $0x1FFFFFF0, s19;
	s30 =	spop (v2sf);
	(v2sf) =	vpush v0, $0xA  }
0x26: {  	s20 =	simm.s32 $0x400;
	s0 =	sadd.s32 s3, s0  }
0x27: {  	[tilespmem:s20], [sflag:$0x1] =	stream.linear.gather [hbm4b:s0+s2], $0x80, $0x38;
	[tilespmem:$0x10200] =	vst v63  }
0x28: {  	s9 =	spop (v2sf);
	(v2sf) =	vpush v0, $0xB  }
0x29: {  	s0 =	sand.u32 $0x1FFFFFF0, s21  }
0x2a: {  	s26 =	simm.s32 $0x480;
	s0 =	sadd.s32 s3, s0  }
0x2b: {  	[tilespmem:s26], [sflag:$0x1] =	stream.linear.gather [hbm4b:s0+s2], $0x80, $0x38;
	[tilespmem:$0x10200] =	vst v63  }
0x2c: {  	s0 =	sand.u32 $0x1FFFFFF0, s30  }
0x2d: {  	s31 =	simm.s32 $0x500;
	s0 =	sadd.s32 s3, s0  }
0x2e: {  	[tilespmem:s31], [sflag:$0x1] =	stream.linear.gather [hbm4b:s0+s2], $0x80, $0x38;
	[tilespmem:$0x10200] =	vst v63  }
0x2f: {  	s0 =	sand.u32 $0x1FFFFFF0, s9  }
0x30: {  	s10 =	simm.s32 $0x580;
	s0 =	sadd.s32 s3, s0;
	s11 =	spop (v2sf);
	(v2sf) =	vpush v0, $0xC  }
0x31: {  	[tilespmem:s10], [sflag:$0x1] =	stream.linear.gather [hbm4b:s0+s2], $0x80, $0x38;
	[tilespmem:$0x10200] =	vst v63  }
0x32: {  	s13 =	spop (v2sf);
	(v2sf) =	vpush v0, $0xD  }
0x33: {  	s0 =	sand.u32 $0x1FFFFFF0, s11  }
0x34: {  	s12 =	simm.s32 $0x600;
	s0 =	sadd.s32 s3, s0;
	s15 =	spop (v2sf)  }
0x35: {  	(v2sf) =	vpush v0, $0xE;
	[tilespmem:s12], [sflag:$0x1] =	stream.linear.gather [hbm4b:s0+s2], $0x80, $0x38;
	[tilespmem:$0x10200] =	vst v63  }
0x36: {  	s0 =	sand.u32 $0x1FFFFFF0, s13  }
0x37: {  	s14 =	simm.s32 $0x680;
	s17 =	spop (v2sf);
	s0 =	sadd.s32 s3, s0  }
0x38: {  	(v2sf) =	vpush v0, $0xF;
	[tilespmem:s14], [sflag:$0x1] =	stream.linear.gather [hbm4b:s0+s2], $0x80, $0x38;
	[tilespmem:$0x10200] =	vst v63  }
0x39: {  	s0 =	sand.u32 $0x1FFFFFF0, s15  }
0x3a: {  	s16 =	simm.s32 $0x700;
	s0 =	sadd.s32 s3, s0  }
0x3b: {  	[tilespmem:s16], [sflag:$0x1] =	stream.linear.gather [hbm4b:s0+s2], $0x80, $0x38;
	[tilespmem:$0x10200] =	vst v63  }
0x3c: {  	s0 =	sand.u32 $0x1FFFFFF0, s17  }
0x3d: {  	s18 =	simm.s32 $0x780;
	s0 =	sadd.s32 s3, s0  }
0x3e: {  	[tilespmem:s18], [sflag:$0x1] =	stream.linear.gather [hbm4b:s0+s2], $0x80, $0x38;
	[tilespmem:$0x10200] =	vst v63  }
0x3f: {  	s19 =	spop (v2sf)  }
0x40: {  	s0 =	sand.u32 $0x1FFFFFF0, s19  }
0x41: {  	s20 =	simm.s32 $0x800;
	s21 =	spop (v2sf);
	s0 =	sadd.s32 s3, s0  }
0x42: {  	[tilespmem:s20], [sflag:$0x1] =	stream.linear.gather [hbm4b:s0+s2], $0x80, $0x38;
	[tilespmem:$0x10200] =	vst v63  }
0x43: {  	s0 =	sand.u32 $0x1FFFFFF0, s21  }
0x44: {  	s26 =	simm.s32 $0x880;
	s30 =	spop (v2sf);
	s0 =	sadd.s32 s3, s0  }
0x45: {  	[tilespmem:s26], [sflag:$0x1] =	stream.linear.gather [hbm4b:s0+s2], $0x80, $0x38;
	[tilespmem:$0x10200] =	vst v63  }
0x46: {  	s0 =	sand.u32 $0x1FFFFFF0, s30  }
0x47: {  	s31 =	spop (v2sf);
	s0 =	sadd.s32 s3, s0  }
0x48: {  	[tilespmem:s22], [sflag:$0x1] =	stream.linear.gather [hbm4b:s0+s2], $0x80, $0x38;
	[tilespmem:$0x10200] =	vst v63  }
0x49: {  	s0 =	sand.u32 $0x1FFFFFF0, s31  }
0x4a: {  	s28 =	simm.s32 $0x10;
	s0 =	sadd.s32 s3, s0  }
0x4b: {  	[tilespmem:s23], [sflag:$0x1] =	stream.linear.gather [hbm4b:s0+s2], $0x80, $0x38;
	[tilespmem:$0x10200] =	vst v63  }
0x4c: {  	v0 =	vld [tilespmem:s28+$0x0];
	_ =	sdelay $0x4  }
0x4d: {  	v0 =	vshll.u32 v0, $0x4  }
0x4e: {  	(v2sf) =	vpush v0, $0x0  }
0x4f: {  	(v2sf) =	vpush v0, $0x1  }
0x50: {  	(v2sf) =	vpush v0, $0x2;
	_ =	sdelay $0x1  }
0x51: {  	(v2sf) =	vpush v0, $0x4;
	_ =	sdelay $0x1  }
0x52: {  	(v2sf) =	vpush v0, $0x3  }
0x53: {  	(v2sf) =	vpush v0, $0x5  }
0x54: {  	s29 =	simm.s32 $0x2000;
	s26 =	simm.s32 $0x0;
	(v2sf) =	vpush v0, $0x6  }
.LBB2_2:
0x55: {  	p0 =	sne.s32 s29, $0x3C000  }
0x56: {  	s14 =	sadd.s32 $0xA80, s26;
	s1 =	sadd.s32 $0xF80, s26;
	s30 =	smov.u32 s29  }
0x57: {  	s29 =	sadd.s32 $0x2000, s29;
	s11 =	sadd.s32 $0xD80, s26;
	s31 =	sadd.s32 $0x1000, s26;
	(v2sf) =	vpush v0, $0x7  }
0x58: {  	s13 =	sadd.s32 $0xC80, s26;
	s10 =	sadd.s32 $0xE00, s26;
	s0 =	sadd.s32 $0x1080, s26  }
0x59: {  	s15 =	sadd.s32 $0xA00, s26;
	s16 =	sadd.s32 $0xC00, s26;
	(v2sf) =	vpush v0, $0x8  }
0x5a: {  	s17 =	sadd.s32 $0xD00, s26  }
0x5b: {  	s18 =	sadd.s32 $0xB00, s26;
	s9 =	sadd.s32 $0xF00, s26;
	s12 =	spop (v2sf);
	(v2sf) =	vpush v0, $0x9  }
0x5c: {  	s19 =	sand.u32 $0x1FFFFFF0, s12;
	s12 =	sadd.s32 $0xE80, s26;
	s20 =	spop (v2sf)  }
0x5d: {  	s19 =	sadd.s32 s3, s19;
	s20 =	sand.u32 $0x1FFFFFF0, s20;
	s21 =	spop (v2sf);
	(v2sf) =	vpush v0, $0xA  }
0x5e: {  	[tilespmem:s15], [sflag:$0x1] =	stream.linear.gather [hbm4b:s19+s2], $0x80, $0x38;
	[tilespmem:$0x10200] =	vst v63  }
0x5f: {  	s15 =	sadd.s32 s3, s20;
	s19 =	sadd.s32 $0xB80, s26;
	s20 =	spop (v2sf);
	(v2sf) =	vpush v0, $0xB  }
0x60: {  	[tilespmem:s14], [sflag:$0x1] =	stream.linear.gather [hbm4b:s15+s2], $0x80, $0x38;
	[tilespmem:$0x10200] =	vst v63  }
0x61: {  	s14 =	sand.u32 $0x1FFFFFF0, s21;
	s15 =	sand.u32 $0x1FFFFFF0, s20;
	s20 =	spop (v2sf);
	(v2sf) =	vpush v0, $0xC  }
0x62: {  	s14 =	sadd.s32 s3, s14;
	s20 =	sand.u32 $0x1FFFFFF0, s20;
	s21 =	spop (v2sf)  }
0x63: {  	[tilespmem:s18], [sflag:$0x1] =	stream.linear.gather [hbm4b:s14+s2], $0x80, $0x38;
	(v2sf) =	vpush v0, $0xD;
	[tilespmem:$0x10200] =	vst v63  }
0x64: {  	s14 =	sadd.s32 s3, s20;
	s18 =	sand.u32 $0x1FFFFFF0, s21;
	s20 =	spop (v2sf)  }
0x65: {  	[tilespmem:s19], [sflag:$0x1] =	stream.linear.gather [hbm4b:s14+s2], $0x80, $0x38;
	(v2sf) =	vpush v0, $0xE;
	[tilespmem:$0x10200] =	vst v63  }
0x66: {  	s14 =	sadd.s32 s3, s15;
	s15 =	sand.u32 $0x1FFFFFF0, s20;
	s19 =	spop (v2sf)  }
0x67: {  	[tilespmem:s16], [sflag:$0x1] =	stream.linear.gather [hbm4b:s14+s2], $0x80, $0x38;
	(v2sf) =	vpush v0, $0xF;
	[tilespmem:$0x10200] =	vst v63  }
0x68: {  	s14 =	sadd.s32 s3, s18;
	s16 =	sand.u32 $0x1FFFFFF0, s19;
	s18 =	spop (v2sf)  }
0x69: {  	[tilespmem:s13], [sflag:$0x1] =	stream.linear.gather [hbm4b:s14+s2], $0x80, $0x38;
	[tilespmem:$0x10200] =	vst v63  }
0x6a: {  	s13 =	sadd.s32 s3, s15;
	s14 =	sand.u32 $0x1FFFFFF0, s18;
	s15 =	spop (v2sf)  }
0x6b: {  	[tilespmem:s17], [sflag:$0x1] =	stream.linear.gather [hbm4b:s13+s2], $0x80, $0x38;
	[tilespmem:$0x10200] =	vst v63  }
0x6c: {  	s13 =	sadd.s32 s3, s16;
	s15 =	sand.u32 $0x1FFFFFF0, s15;
	s16 =	spop (v2sf)  }
0x6d: {  	[tilespmem:s11], [sflag:$0x1] =	stream.linear.gather [hbm4b:s13+s2], $0x80, $0x38;
	[tilespmem:$0x10200] =	vst v63  }
0x6e: {  	s11 =	sadd.s32 s3, s14;
	s13 =	sand.u32 $0x1FFFFFF0, s16;
	s14 =	spop (v2sf)  }
0x6f: {  	[tilespmem:s10], [sflag:$0x1] =	stream.linear.gather [hbm4b:s11+s2], $0x80, $0x38;
	[tilespmem:$0x10200] =	vst v63  }
0x70: {  	s10 =	sadd.s32 s3, s15;
	s11 =	sand.u32 $0x1FFFFFF0, s14;
	s14 =	spop (v2sf)  }
0x71: {  	[tilespmem:s12], [sflag:$0x1] =	stream.linear.gather [hbm4b:s10+s2], $0x80, $0x38;
	[tilespmem:$0x10200] =	vst v63  }
0x72: {  	s10 =	sadd.s32 s3, s13;
	s12 =	sand.u32 $0x1FFFFFF0, s14;
	s13 =	spop (v2sf)  }
0x73: {  	[tilespmem:s9], [sflag:$0x1] =	stream.linear.gather [hbm4b:s10+s2], $0x80, $0x38;
	[tilespmem:$0x10200] =	vst v63  }
0x74: {  	s9 =	sadd.s32 s3, s11;
	s10 =	sand.u32 $0x1FFFFFF0, s13;
	s11 =	spop (v2sf)  }
0x75: {  	[tilespmem:s1], [sflag:$0x1] =	stream.linear.gather [hbm4b:s9+s2], $0x80, $0x38;
	[tilespmem:$0x10200] =	vst v63  }
0x76: {  	s1 =	sadd.s32 s3, s12;
	s9 =	sand.u32 $0x1FFFFFF0, s11;
	s11 =	spop (v2sf)  }
0x77: {  	[tilespmem:s31], [sflag:$0x1] =	stream.linear.gather [hbm4b:s1+s2], $0x80, $0x38;
	[tilespmem:$0x10200] =	vst v63  }
0x78: {  	s1 =	sadd.s32 s3, s10;
	s10 =	sand.u32 $0x1FFFFFF0, s11  }
0x79: {  	[tilespmem:s0], [sflag:$0x1] =	stream.linear.gather [hbm4b:s1+s2], $0x80, $0x38;
	[tilespmem:$0x10200] =	vst v63  }
0x7a: {  	s0 =	sadd.s32 $0x1100, s26;
	s1 =	sadd.s32 s3, s9  }
0x7b: {  	[tilespmem:s0], [sflag:$0x1] =	stream.linear.gather [hbm4b:s1+s2], $0x80, $0x38;
	[tilespmem:$0x10200] =	vst v63  }
0x7c: {  	s28 =	sadd.s32 $0x10, s28;
	s0 =	sadd.s32 $0x1180, s26;
	s1 =	sadd.s32 s3, s10  }
0x7d: {  	[tilespmem:s0], [sflag:$0x1] =	stream.linear.gather [hbm4b:s1+s2], $0x80, $0x38;
	[tilespmem:$0x10200] =	vst v63  }
0x7e: {  	_ =	swait.ge [sflag:s24], $0x400  }
0x7f: {  	[sflag:s24] =	ssyncset.done $0x0  }
0x80: {  	[sflag:s24] =	ssyncadd.s32 $0xFFFFFC00  }
0x81: {  	_ =	swait.ge [sflag:s24], $0x400  }
0x82: {  	[sflag:s24] =	ssyncset.done $0x0  }
0x83: {  	[sflag:s24] =	ssyncadd.s32 $0xFFFFFC00  }
0x84: {  	v0 =	vld [tilespmem:s28+$0x0];
	_ =	sdelay $0x4  }
0x85: {  	v0 =	vshll.u32 v0, $0x4  }
0x86: {  	(v2sf) =	vpush v0, $0x0  }
0x87: {  	(v2sf) =	vpush v0, $0x1  }
0x88: {  	(v2sf) =	vpush v0, $0x2;
	_ =	sdelay $0x1  }
0x89: {  	(v2sf) =	vpush v0, $0x4  }
.Ltmp0:
0x8a: {  	(pc) =	sbr.rel @p0 .LBB2_2-.Ltmp0, $3  }
0x8b: {  	(v2sf) =	vpush v0, $0x3  }
0x8c: {  	(v2sf) =	vpush v0, $0x5;
	_ =	sdelay $0x1  }
0x8d: {  	s26 =	sshra.s32 s30, $0x2;
	(v2sf) =	vpush v0, $0x6  }
0x8e: {  	_ =	sdelay $0x1  }
0x8f: {  	s10 =	sadd.s32 $0xA80, s26;
	s9 =	sadd.s32 $0xF80, s26  }
0x90: {  	s11 =	sadd.s32 $0xD80, s26;
	s0 =	sadd.s32 $0x1000, s26;
	(v2sf) =	vpush v0, $0x7;
	s12 =	sadd.s32 $0xC80, s26  }
0x91: {  	s13 =	sadd.s32 $0xE00, s26;
	s1 =	sadd.s32 $0x1080, s26;
	s14 =	sadd.s32 $0xA00, s26  }
0x92: {  	s15 =	sadd.s32 $0xC00, s26;
	s16 =	sadd.s32 $0xD00, s26;
	(v2sf) =	vpush v0, $0x8;
	s17 =	spop (v2sf)  }
0x93: {  	s18 =	sadd.s32 $0xB00, s26;
	s17 =	sand.u32 $0x1FFFFFF0, s17;
	s19 =	spop (v2sf)  }
0x94: {  	(v2sf) =	vpush v0, $0x9;
	s17 =	sadd.s32 s3, s17;
	s19 =	sand.u32 $0x1FFFFFF0, s19;
	s20 =	spop (v2sf)  }
0x95: {  	[tilespmem:s14], [sflag:$0x1] =	stream.linear.gather [hbm4b:s17+s2], $0x80, $0x38;
	[tilespmem:$0x10200] =	vst v63  }
0x96: {  	(v2sf) =	vpush v0, $0xA;
	s21 =	sadd.s32 s3, s19;
	s29 =	sand.u32 $0x1FFFFFF0, s20;
	s28 =	spop (v2sf)  }
0x97: {  	[tilespmem:s10], [sflag:$0x1] =	stream.linear.gather [hbm4b:s21+s2], $0x80, $0x38;
	[tilespmem:$0x10200] =	vst v63  }
0x98: {  	s14 =	sadd.s32 $0xF00, s26;
	(v2sf) =	vpush v0, $0xB;
	s17 =	sadd.s32 s3, s29;
	s30 =	spop (v2sf)  }
0x99: {  	s10 =	sadd.s32 $0xE80, s26;
	s21 =	sadd.s32 $0xB80, s26;
	s20 =	sand.u32 $0x1FFFFFF0, s30  }
0x9a: {  	(v2sf) =	vpush v0, $0xC;
	[tilespmem:s18], [sflag:$0x1] =	stream.linear.gather [hbm4b:s17+s2], $0x80, $0x38;
	[tilespmem:$0x10200] =	vst v63  }
0x9b: {  	s31 =	sand.u32 $0x1FFFFFF0, s28;
	s28 =	spop (v2sf);
	s29 =	sadd.s32 s3, s20  }
0x9c: {  	(v2sf) =	vpush v0, $0xD;
	[tilespmem:s21], [sflag:$0x1] =	stream.linear.gather [hbm4b:s29+s2], $0x80, $0x38;
	[tilespmem:$0x10200] =	vst v63  }
0x9d: {  	s17 =	sadd.s32 s3, s31;
	s18 =	sand.u32 $0x1FFFFFF0, s28;
	s30 =	spop (v2sf)  }
0x9e: {  	(v2sf) =	vpush v0, $0xE;
	[tilespmem:s15], [sflag:$0x1] =	stream.linear.gather [hbm4b:s17+s2], $0x80, $0x38;
	[tilespmem:$0x10200] =	vst v63  }
0x9f: {  	s18 =	sadd.s32 s3, s18;
	s31 =	sand.u32 $0x1FFFFFF0, s30;
	s19 =	spop (v2sf)  }
0xa0: {  	(v2sf) =	vpush v0, $0xF;
	[tilespmem:s12], [sflag:$0x1] =	stream.linear.gather [hbm4b:s18+s2], $0x80, $0x38;
	[tilespmem:$0x10200] =	vst v63  }
0xa1: {  	s20 =	sand.u32 $0x1FFFFFF0, s19;
	s21 =	spop (v2sf);
	s15 =	sadd.s32 s3, s31  }
0xa2: {  	[tilespmem:s16], [sflag:$0x1] =	stream.linear.gather [hbm4b:s15+s2], $0x80, $0x38;
	[tilespmem:$0x10200] =	vst v63  }
0xa3: {  	s28 =	sand.u32 $0x1FFFFFF0, s21;
	s12 =	sadd.s32 s3, s20;
	s29 =	spop (v2sf)  }
0xa4: {  	[tilespmem:s11], [sflag:$0x1] =	stream.linear.gather [hbm4b:s12+s2], $0x80, $0x38;
	[tilespmem:$0x10200] =	vst v63  }
0xa5: {  	s15 =	sadd.s32 s3, s28;
	s30 =	sand.u32 $0x1FFFFFF0, s29;
	s31 =	spop (v2sf)  }
0xa6: {  	[tilespmem:s13], [sflag:$0x1] =	stream.linear.gather [hbm4b:s15+s2], $0x80, $0x38;
	[tilespmem:$0x10200] =	vst v63  }
0xa7: {  	s12 =	sand.u32 $0x1FFFFFF0, s31;
	s11 =	sadd.s32 s3, s30;
	s15 =	spop (v2sf)  }
0xa8: {  	[tilespmem:s10], [sflag:$0x1] =	stream.linear.gather [hbm4b:s11+s2], $0x80, $0x38;
	[tilespmem:$0x10200] =	vst v63  }
0xa9: {  	s12 =	sadd.s32 s3, s12;
	s16 =	sand.u32 $0x1FFFFFF0, s15;
	s17 =	spop (v2sf)  }
0xaa: {  	[tilespmem:s14], [sflag:$0x1] =	stream.linear.gather [hbm4b:s12+s2], $0x80, $0x38;
	[tilespmem:$0x10200] =	vst v63  }
0xab: {  	s10 =	sadd.s32 s3, s16;
	s11 =	sand.u32 $0x1FFFFFF0, s17;
	s18 =	spop (v2sf)  }
0xac: {  	[tilespmem:s9], [sflag:$0x1] =	stream.linear.gather [hbm4b:s10+s2], $0x80, $0x38;
	[tilespmem:$0x10200] =	vst v63  }
0xad: {  	s19 =	sand.u32 $0x1FFFFFF0, s18;
	s11 =	sadd.s32 s3, s11;
	s20 =	spop (v2sf)  }
0xae: {  	[tilespmem:s0], [sflag:$0x1] =	stream.linear.gather [hbm4b:s11+s2], $0x80, $0x38;
	[tilespmem:$0x10200] =	vst v63  }
0xaf: {  	s21 =	sand.u32 $0x1FFFFFF0, s20;
	s28 =	spop (v2sf);
	s9 =	sadd.s32 s3, s19  }
0xb0: {  	[tilespmem:s1], [sflag:$0x1] =	stream.linear.gather [hbm4b:s9+s2], $0x80, $0x38;
	[tilespmem:$0x10200] =	vst v63  }
0xb1: {  	s30 =	sadd.s32 $0x1100, s26;
	s29 =	sand.u32 $0x1FFFFFF0, s28;
	s0 =	sadd.s32 s3, s21  }
0xb2: {  	[tilespmem:s30], [sflag:$0x1] =	stream.linear.gather [hbm4b:s0+s2], $0x80, $0x38;
	[tilespmem:$0x10200] =	vst v63  }
0xb3: {  	s31 =	sadd.s32 $0x1180, s26;
	s1 =	sadd.s32 s3, s29  }
0xb4: {  	[tilespmem:s31], [sflag:$0x1] =	stream.linear.gather [hbm4b:s1+s2], $0x80, $0x38;
	[tilespmem:$0x10200] =	vst v63  }
0xb5: {  	_ =	swait.ge [sflag:s24], $0x400  }
0xb6: {  	[sflag:s24] =	ssyncset.done $0x0  }
0xb7: {  	[sflag:s24] =	ssyncadd.s32 $0xFFFFFC00  }
0xb8: {  	_ =	swait.ge [sflag:s24], $0x400  }
0xb9: {  	[sflag:s24] =	ssyncset.done $0x0  }
0xba: {  	[sflag:s24] =	ssyncadd.s32 $0xFFFFFC00  }
0xbb: {  	_ =	swait.ge [sflag:s24], $0x400  }
0xbc: {  	[sflag:s24] =	ssyncset.done $0x0  }
0xbd: {  	[sflag:s24] =	ssyncadd.s32 $0xFFFFFC00  }
0xbe: {  	s25 =	sadd.s32 $0x1, s25;
	_ =	swait.ge [sflag:s24], $0x400  }
0xbf: {  	p0 =	sne.s32 s25, s6;
	[sflag:s24] =	ssyncset.done $0x0  }
.Ltmp1:
0xc0: {  	[sflag:s24] =	ssyncadd.s32 $0xFFFFFC00;
	(pc) =	sbr.rel @p0 .LBB2_1-.Ltmp1, $4  }
0xc1: {  	[hbm4b:s5+s2] =	stream.linear.scatter [tilespmem:s8], [sflag:$0x2], $0x10000, $0x38;
	[tilespmem:$0x10200] =	vst v63  }
0xc2: {  	_ =	swait.ge [sflag:s7], $0x10000  }
0xc3: {  	[sflag:s7] =	ssyncset.done $0x0  }
0xc4: {  	[sflag:s7] =	ssyncadd.s32 $0xFFFF0000  }
0xc5: {  	_ =	sfence.sel $0x180000  }
0xc6: {  	[bflag:$0x0] =	sbarrier.arrive $0xFFFF  }
0xc7: {  	_ =	strace $0x90000047  }
0xc8: {  	s0 =	stileid.u32;
	[bflag:$0x2] =	sbarrier.arrive $0xFFFF  }
0xc9: {  	p0 =	sne.s32 s0, $0x0;
	s0 =	rddreg [dreg:$0x2]  }
0xca: {  	s0 =	sadd.s32 @!p0 $0x100000, s0  }
0xcb: {  	[sflag:s0] =	ssyncadd.tile.s32 @!p0 $0x1;
	_ =	shalt  }
.Lfunc_end2:
_tile_overlayer_lowered:
.L_overlay_start_2:
0xcc: {  	(tag) =	ssettag $0x2  }
0xcd: {  	s0 =	rddreg [dreg:$0x0];
	s2 =	stileid.u32  }
0xce: {  	s1 =	rddreg [dreg:$0x1];
	p0 =	sne.s32 s2, $0x0  }
0xcf: {  	s3 =	rddreg [dreg:$0x2];
	[bflag:$0x3] =	sbarrier.arrive $0xFFFF;
	s2 =	simm.s32 @!p0 $0x1C02  }
0xd0: {  	[timem:s3], [sflag:s2] =	dma.local @!p0 [hbm:s0], s1  }
0xd1: {  	s0 =	simm.s32 @!p0 $0x2  }
0xd2: {  	_ =	swait.ge @!p0 [sflag:s0], s1  }
0xd3: {  	s1 =	ssub.s32 @!p0 $0x0, s1;
	[sflag:s0] =	ssyncset.done @!p0 $0x0  }
0xd4: {  	[sflag:s0] =	ssyncadd.s32 @!p0 s1  }
0xd5: {  	[bflag:$0x3] =	sbarrier.arrive $0xFFFF  }
0xd6: {  	_ =	shalt  }

</sc_bundles>
